<compile_context>
chip_gen: v7x
topology: tpu7x:2x2x1
jax: 0.10.2.dev20260603
libtpu: 0.0.44.dev20260713+nightly
codegen_flags: <defaults>
</compile_context>

<pallas_src>
import functools

import jax
import jax.numpy as jnp
from jax import lax
from jax.experimental import pallas as pl
from jax.experimental.pallas import tpu as pltpu
from jax.experimental.pallas import tpu_sc as plsc

_G = 64
_RS = (1.0 + 1e-5) ** -0.5
_PREC = lax.Precision.DEFAULT


@functools.lru_cache(maxsize=None)
def _make_agg(N, D, E):
    info = plsc.get_sparse_core_info()
    NC, NS = info.num_cores, info.num_subcores
    NW = NC * NS
    assert E % NW == 0
    EPW = E // NW
    CH = 80
    assert EPW % CH == 0 and CH % 8 == 0
    NCH = EPW // CH
    W_CHK = (N // NS) // 8 * 8
    TAIL = N - NS * W_CHK
    ZR = 78
    assert W_CHK % ZR == 0 and TAIL % 8 == 0 and TAIL <= ZR
    mesh = plsc.VectorSubcoreMesh(core_axis_name="c", subcore_axis_name="s")

    @functools.partial(
        pl.kernel,
        out_type=jax.ShapeDtypeStruct((NC, N, D), jnp.float32),
        mesh=mesh,
        scratch_types=[
            pltpu.VMEM((CH,), jnp.int32),
            pltpu.VMEM((CH,), jnp.int32),
            pltpu.VMEM((CH, D), jnp.float32),
            pltpu.VMEM((ZR, D), jnp.float32),
            pltpu.VMEM_SHARED((N, D), jnp.float32),
            pltpu.SemaphoreType.DMA,
        ],
    )
    def agg(x_hbm, src_hbm, dst_hbm, out_hbm, src_v, dst_v, rows_v, zbuf, acc, sem):
        cid = lax.axis_index("c")
        sid = lax.axis_index("s")
        wid = sid * NC + cid
        def zrow(i, carry):
            for j in range(D // 16):
                zbuf[i, pl.ds(j * 16, 16)] = jnp.zeros((16,), jnp.float32)
            return carry
        lax.fori_loop(0, ZR, zrow, 0)
        row0 = sid * W_CHK
        for k in range(W_CHK // ZR):
            pltpu.sync_copy(zbuf, acc.at[pl.ds(row0 + k * ZR, ZR)])

        @pl.when(sid == NS - 1)
        def _():
            pltpu.sync_copy(zbuf.at[pl.ds(0, TAIL)], acc.at[pl.ds(NS * W_CHK, TAIL)])

        plsc.subcore_barrier()
        base = wid * EPW
        def body(i, carry):
            off = base + i * CH
            pltpu.sync_copy(src_hbm.at[pl.ds(off, CH)], src_v)
            pltpu.sync_copy(dst_hbm.at[pl.ds(off, CH)], dst_v)
            pltpu.async_copy(x_hbm.at[src_v], rows_v, sem).wait()
            pltpu.sync_copy(rows_v, acc.at[dst_v], add=True)
            return carry
        lax.fori_loop(0, NCH, body, 0)
        plsc.subcore_barrier()
        pltpu.sync_copy(acc.at[pl.ds(row0, W_CHK)], out_hbm.at[cid, pl.ds(row0, W_CHK)])

        @pl.when(sid == NS - 1)
        def _():
            pltpu.sync_copy(acc.at[pl.ds(NS * W_CHK, TAIL)],
                            out_hbm.at[cid, pl.ds(NS * W_CHK, TAIL)])

    return agg


@functools.lru_cache(maxsize=None)
def _make_gin(N, D, H, G, BLK):
    NB = N // BLK

    def body(x_ref, p0_ref, p1_ref, bat_ref, W1_ref, b1_ref, W2_ref, b2_ref,
             g_ref, bt_ref, y_ref, px_ref, py_ref):
        i = pl.program_id(0)
        xb = x_ref[...]
        z = xb + p0_ref[...] + p1_ref[...]
        h = jnp.dot(z, W1_ref[...], preferred_element_type=jnp.float32,
                    precision=_PREC) + b1_ref[...]
        h = jnp.maximum(h, 0.0)
        h = jnp.dot(h, W2_ref[...], preferred_element_type=jnp.float32,
                    precision=_PREC) + b2_ref[...]
        h = jnp.maximum(h, 0.0)
        y = h * (g_ref[...] * _RS) + bt_ref[...]
        y_ref[...] = y
        iota = lax.broadcasted_iota(jnp.int32, (G, BLK), 0)
        m = (bat_ref[0] == iota).astype(jnp.float32)

        @pl.when(i == 0)
        def _():
            px_ref[...] = jnp.zeros_like(px_ref)
            py_ref[...] = jnp.zeros_like(py_ref)

        px_ref[...] += jnp.dot(m, xb, preferred_element_type=jnp.float32,
                               precision=_PREC)
        py_ref[...] += jnp.dot(m, y, preferred_element_type=jnp.float32,
                               precision=_PREC)

    return pl.pallas_call(
        body,
        grid=(NB,),
        in_specs=[
            pl.BlockSpec((BLK, D), lambda i: (i, 0)),
            pl.BlockSpec((BLK, D), lambda i: (i, 0)),
            pl.BlockSpec((BLK, D), lambda i: (i, 0)),
            pl.BlockSpec((1, 1, BLK), lambda i: (i, 0, 0)),
            pl.BlockSpec((D, H), lambda i: (0, 0)),
            pl.BlockSpec((1, H), lambda i: (0, 0)),
            pl.BlockSpec((H, H), lambda i: (0, 0)),
            pl.BlockSpec((1, H), lambda i: (0, 0)),
            pl.BlockSpec((1, H), lambda i: (0, 0)),
            pl.BlockSpec((1, H), lambda i: (0, 0)),
        ],
        out_specs=[
            pl.BlockSpec((BLK, H), lambda i: (i, 0)),
            pl.BlockSpec((G, D), lambda i: (0, 0)),
            pl.BlockSpec((G, H), lambda i: (0, 0)),
        ],
        out_shape=[
            jax.ShapeDtypeStruct((N, H), jnp.float32),
            jax.ShapeDtypeStruct((G, D), jnp.float32),
            jax.ShapeDtypeStruct((G, H), jnp.float32),
        ],
    )


def _head_body(px_ref, p1_ref, p2_ref, f1W, f1b, f1g, f1bt, f2W, f2b, f2g,
               f2bt, mW1, mb1, mg, mbt, ma, mW2, mb2, o_ref):
    def fc(v, W, b, g, bt):
        h = jnp.dot(v, W[...], preferred_element_type=jnp.float32,
                    precision=_PREC) + b[...]
        h = jnp.maximum(h, 0.0)
        return h * (g[...] * _RS) + bt[...]

    x0 = fc(px_ref[...], f1W, f1b, f1g, f1bt)
    x1g = fc(x0 + p1_ref[...], f2W, f2b, f2g, f2bt)
    x2g = fc(x0 + x1g + p2_ref[...], f2W, f2b, f2g, f2bt)
    h = jnp.dot(x2g, mW1[...], preferred_element_type=jnp.float32,
                precision=_PREC) + mb1[...]
    h = h * (mg[...] * _RS) + mbt[...]
    h = jnp.where(h >= 0.0, h, ma[...] * h)
    o_ref[...] = jnp.dot(h, mW2[...], preferred_element_type=jnp.float32,
                         precision=_PREC) + mb2[...]


@functools.lru_cache(maxsize=None)
def _make_head(G, OUT):
    return pl.pallas_call(
        _head_body,
        out_shape=jax.ShapeDtypeStruct((G, OUT), jnp.float32),
    )


def kernel(x, edge_index, batch, c1_W1, c1_b1, c1_W2, c1_b2, c1_g, c1_bt,
           c2_W1, c2_b1, c2_W2, c2_b2, c2_g, c2_bt, f1_W, f1_b, f1_g, f1_bt,
           f2_W, f2_b, f2_g, f2_bt, m_W1, m_b1, m_g, m_bt, m_a, m_W2, m_b2):
    N, D = x.shape
    H = c1_W2.shape[0]
    E = edge_index.shape[1]
    OUT = m_W2.shape[1]
    G = _G
    BLK = 1000
    src = edge_index[0]
    dst = edge_index[1]
    bat3 = batch.reshape(N // BLK, 1, BLK)
    r2 = lambda v: v.reshape(1, -1)

    agg = _make_agg(N, D, E)
    gin = _make_gin(N, D, H, G, BLK)
    head = _make_head(G, OUT)

    p = agg(x, src, dst)
    x1, pool_x, pool_x1 = gin(x, p[0], p[1], bat3, c1_W1, r2(c1_b1), c1_W2,
                              r2(c1_b2), r2(c1_g), r2(c1_bt))
    q = agg(x1, src, dst)
    _, _, pool_x2 = gin(x1, q[0], q[1], bat3, c2_W1, r2(c2_b1), c2_W2,
                        r2(c2_b2), r2(c2_g), r2(c2_bt))
    return head(pool_x, pool_x1, pool_x2, f1_W, r2(f1_b), r2(f1_g), r2(f1_bt),
                f2_W, r2(f2_b), r2(f2_g), r2(f2_bt), m_W1, r2(m_b1), r2(m_g),
                r2(m_bt), m_a.reshape(1, 1), m_W2, r2(m_b2))

# --- scband reference (transcript-rebuilt; emitter-appended) ---
"""Pipeline reference for scband-dscnmp-10282151707326 (READ-ONLY COPY).

The authoritative reference and input builder live on the scoring server;
editing this copy changes nothing except your own understanding.
"""

import jax, jax.numpy as jnp
import numpy as np

N = 10000
E = 320000
D = 128
H = 128
OUT = 10
G = 64

def _lin(k, i, o):
    s = 1.0 / np.sqrt(i)
    kw, kb = jax.random.split(k)
    W = jax.random.uniform(kw, (i, o), minval=-s, maxval=s, dtype=jnp.float32)
    b = jax.random.uniform(kb, (o,), minval=-s, maxval=s, dtype=jnp.float32)
    return W, b

def setup_inputs(seed: int = 0):
    key = jax.random.key(seed)
    ks = jax.random.split(key, 16)
    inp = {}
    inp["x"] = jax.random.normal(ks[0], (N, D), dtype=jnp.float32)
    inp["edge_index"] = jax.random.randint(ks[1], (2, E), 0, N, dtype=jnp.int32)
    inp["batch"] = jnp.sort(jax.random.randint(ks[2], (N,), 0, G, dtype=jnp.int32))
    inp["c1_W1"], inp["c1_b1"] = _lin(ks[3], D, H)
    inp["c1_W2"], inp["c1_b2"] = _lin(ks[4], H, H)
    inp["c1_g"] = jnp.ones((H,), jnp.float32); inp["c1_bt"] = jnp.zeros((H,), jnp.float32)
    inp["c2_W1"], inp["c2_b1"] = _lin(ks[5], H, H)
    inp["c2_W2"], inp["c2_b2"] = _lin(ks[6], H, H)
    inp["c2_g"] = jnp.ones((H,), jnp.float32); inp["c2_bt"] = jnp.zeros((H,), jnp.float32)
    inp["f1_W"], inp["f1_b"] = _lin(ks[7], D, H)
    inp["f1_g"] = jnp.ones((H,), jnp.float32); inp["f1_bt"] = jnp.zeros((H,), jnp.float32)
    inp["f2_W"], inp["f2_b"] = _lin(ks[8], H, H)
    inp["f2_g"] = jnp.ones((H,), jnp.float32); inp["f2_bt"] = jnp.zeros((H,), jnp.float32)
    inp["m_W1"], inp["m_b1"] = _lin(ks[9], H, H // 2)
    inp["m_g"] = jnp.ones((H // 2,), jnp.float32); inp["m_bt"] = jnp.zeros((H // 2,), jnp.float32)
    inp["m_a"] = jnp.full((1,), 0.25, jnp.float32)
    inp["m_W2"], inp["m_b2"] = _lin(ks[10], H // 2, OUT)
    return inp

def _bn(x, g, b):
    # eval-mode BatchNorm1d: running_mean=0, running_var=1 at init
    return (x / jnp.sqrt(1.0 + 1e-5)) * g + b

def reference(x, edge_index, batch, c1_W1, c1_b1, c1_W2, c1_b2, c1_g, c1_bt, c2_W1, c2_b1, c2_W2, c2_b2, c2_g, c2_bt, f1_W, f1_b, f1_g, f1_bt, f2_W, f2_b, f2_g, f2_bt, m_W1, m_b1, m_g, m_bt, m_a, m_W2, m_b2):
    def gin(h, W1, b1, W2, b2, g, bt):
        # GINConv with eps=0: nn((1+eps)*x + sum_{j in N(i)} x_j)
        msg = h[edge_index[0]]
        agg = jax.ops.segment_sum(msg, edge_index[1], num_segments=h.shape[0])
        z = h + agg
        z = jax.nn.relu(z @ W1 + b1)
        z = jax.nn.relu(z @ W2 + b2)
        return _bn(z, g, bt)
    def fc(z, W, b, g, bt):
        return _bn(jax.nn.relu(z @ W + b), g, bt)
    x0_g = jax.ops.segment_sum(x, batch, num_segments=G)
    x0_g = fc(x0_g, f1_W, f1_b, f1_g, f1_bt)
    x1 = gin(x, c1_W1, c1_b1, c1_W2, c1_b2, c1_g, c1_bt)
    x1_g = jax.ops.segment_sum(x1, batch, num_segments=G)
    x1_g = fc(x0_g + x1_g, f2_W, f2_b, f2_g, f2_bt)
    x2 = gin(x1, c2_W1, c2_b1, c2_W2, c2_b2, c2_g, c2_bt)
    x2_g = jax.ops.segment_sum(x2, batch, num_segments=G)
    x2_g = fc(x0_g + x1_g + x2_g, f2_W, f2_b, f2_g, f2_bt)
    h = x2_g  # dropout is identity in eval mode
    h = h @ m_W1 + m_b1
    h = _bn(h, m_g, m_bt)
    h = jnp.where(h >= 0, h, m_a * h)  # PReLU
    return h @ m_W2 + m_b2

if __name__ == "__main__":
    import jax
    _d = setup_inputs()
    print(jax.jit(kernel)(*tuple(_d.values())))

</pallas_src>

<mosaic_0001>
#map = affine_map<(d0, d1) -> (0, 0)>
#map1 = affine_map<(d0, d1) -> (0)>
#map2 = affine_map<(d0, d1) -> (0, 0, 0)>
module attributes {stable_mosaic.version = 14 : i64} {
  func.func @agg(%arg0: i32, %arg1: i32, %arg2: memref<10000x128xf32, #tpu.memory_space<hbm>>, %arg3: memref<320000xi32, #tpu.memory_space<hbm>>, %arg4: memref<320000xi32, #tpu.memory_space<hbm>>, %arg5: memref<2x10000x128xf32, #tpu.memory_space<hbm>>, %arg6: memref<80xi32, #tpu.memory_space<vmem>>, %arg7: memref<80xi32, #tpu.memory_space<vmem>>, %arg8: memref<80x128xf32, #tpu.memory_space<vmem>>, %arg9: memref<78x128xf32, #tpu.memory_space<vmem>>, %arg10: memref<10000x128xf32, #tpu.memory_space<vmem_shared>>, %arg11: memref<!tpu.dma_semaphore, #tpu.memory_space<semaphore_mem>>) attributes {dimension_semantics = [#tpu.dimension_semantics<core_parallel>, #tpu.dimension_semantics<subcore_parallel>], iteration_bounds = array<i64: 2, 16>, scalar_prefetch = 0 : i64, scratch_operands = 6 : i64, tpu.core_type = #tpu.core_type<sc_vector_subcore>, window_params = [{transform_indices = #map}, {transform_indices = #map1}, {transform_indices = #map1}, {transform_indices = #map2}]} {
    %mul3A = arith.constant 2 : i32
    %mul3A_0 = arith.muli %arg1, %mul3A : i32
    %add3A = arith.addi %mul3A_0, %arg0 : i32
    %scan3A = arith.constant 0 : i32
    %scan3A_1 = arith.constant 0 : i32
    %scan3A_2 = arith.constant 78 : i32
    %scan3A_3 = arith.addi %scan3A_1, %scan3A_2 : i32
    %scan3A_4 = arith.constant 1 : i32
    scf.for %scan3A_40 = %scan3A_1 to %scan3A_3 step %scan3A_4  : i32 {
      %broadcast_in_dim3A = arith.constant 0.000000e+00 : f32
      %broadcast_in_dim3A_41 = vector.broadcast %broadcast_in_dim3A : f32 to vector<16xf32>
      %swap3A = arith.index_cast %scan3A_40 : i32 to index
      %swap3A_42 = arith.constant 0 : index
      %swap3A_43 = tpu.vector_load %arg9[%swap3A, %swap3A_42] {strides = array<i32>} : memref<78x128xf32, #tpu.memory_space<vmem>>, vector<1x16xf32>,
      %swap3A_44 = vector.shape_cast %swap3A_43 : vector<1x16xf32> to vector<16xf32>
      %swap3A_45 = vector.shape_cast %broadcast_in_dim3A_41 : vector<16xf32> to vector<1x16xf32>
      tpu.vector_store %arg9[%swap3A, %swap3A_42], %swap3A_45 {strides = array<i32>} : memref<78x128xf32, #tpu.memory_space<vmem>>, vector<1x16xf32>,
      %broadcast_in_dim3A_46 = arith.constant 0.000000e+00 : f32
      %broadcast_in_dim3A_47 = vector.broadcast %broadcast_in_dim3A_46 : f32 to vector<16xf32>
      %swap3A_48 = arith.index_cast %scan3A_40 : i32 to index
      %swap3A_49 = arith.constant 16 : index
      %swap3A_50 = tpu.vector_load %arg9[%swap3A_48, %swap3A_49] {strides = array<i32>} : memref<78x128xf32, #tpu.memory_space<vmem>>, vector<1x16xf32>,
      %swap3A_51 = vector.shape_cast %swap3A_50 : vector<1x16xf32> to vector<16xf32>
      %swap3A_52 = vector.shape_cast %broadcast_in_dim3A_47 : vector<16xf32> to vector<1x16xf32>
      tpu.vector_store %arg9[%swap3A_48, %swap3A_49], %swap3A_52 {strides = array<i32>} : memref<78x128xf32, #tpu.memory_space<vmem>>, vector<1x16xf32>,
      %broadcast_in_dim3A_53 = arith.constant 0.000000e+00 : f32
      %broadcast_in_dim3A_54 = vector.broadcast %broadcast_in_dim3A_53 : f32 to vector<16xf32>
      %swap3A_55 = arith.index_cast %scan3A_40 : i32 to index
      %swap3A_56 = arith.constant 32 : index
      %swap3A_57 = tpu.vector_load %arg9[%swap3A_55, %swap3A_56] {strides = array<i32>} : memref<78x128xf32, #tpu.memory_space<vmem>>, vector<1x16xf32>,
      %swap3A_58 = vector.shape_cast %swap3A_57 : vector<1x16xf32> to vector<16xf32>
      %swap3A_59 = vector.shape_cast %broadcast_in_dim3A_54 : vector<16xf32> to vector<1x16xf32>
      tpu.vector_store %arg9[%swap3A_55, %swap3A_56], %swap3A_59 {strides = array<i32>} : memref<78x128xf32, #tpu.memory_space<vmem>>, vector<1x16xf32>,
      %broadcast_in_dim3A_60 = arith.constant 0.000000e+00 : f32
      %broadcast_in_dim3A_61 = vector.broadcast %broadcast_in_dim3A_60 : f32 to vector<16xf32>
      %swap3A_62 = arith.index_cast %scan3A_40 : i32 to index
      %swap3A_63 = arith.constant 48 : index
      %swap3A_64 = tpu.vector_load %arg9[%swap3A_62, %swap3A_63] {strides = array<i32>} : memref<78x128xf32, #tpu.memory_space<vmem>>, vector<1x16xf32>,
      %swap3A_65 = vector.shape_cast %swap3A_64 : vector<1x16xf32> to vector<16xf32>
      %swap3A_66 = vector.shape_cast %broadcast_in_dim3A_61 : vector<16xf32> to vector<1x16xf32>
      tpu.vector_store %arg9[%swap3A_62, %swap3A_63], %swap3A_66 {strides = array<i32>} : memref<78x128xf32, #tpu.memory_space<vmem>>, vector<1x16xf32>,
      %broadcast_in_dim3A_67 = arith.constant 0.000000e+00 : f32
      %broadcast_in_dim3A_68 = vector.broadcast %broadcast_in_dim3A_67 : f32 to vector<16xf32>
      %swap3A_69 = arith.index_cast %scan3A_40 : i32 to index
      %swap3A_70 = arith.constant 64 : index
      %swap3A_71 = tpu.vector_load %arg9[%swap3A_69, %swap3A_70] {strides = array<i32>} : memref<78x128xf32, #tpu.memory_space<vmem>>, vector<1x16xf32>,
      %swap3A_72 = vector.shape_cast %swap3A_71 : vector<1x16xf32> to vector<16xf32>
      %swap3A_73 = vector.shape_cast %broadcast_in_dim3A_68 : vector<16xf32> to vector<1x16xf32>
      tpu.vector_store %arg9[%swap3A_69, %swap3A_70], %swap3A_73 {strides = array<i32>} : memref<78x128xf32, #tpu.memory_space<vmem>>, vector<1x16xf32>,
      %broadcast_in_dim3A_74 = arith.constant 0.000000e+00 : f32
      %broadcast_in_dim3A_75 = vector.broadcast %broadcast_in_dim3A_74 : f32 to vector<16xf32>
      %swap3A_76 = arith.index_cast %scan3A_40 : i32 to index
      %swap3A_77 = arith.constant 80 : index
      %swap3A_78 = tpu.vector_load %arg9[%swap3A_76, %swap3A_77] {strides = array<i32>} : memref<78x128xf32, #tpu.memory_space<vmem>>, vector<1x16xf32>,
      %swap3A_79 = vector.shape_cast %swap3A_78 : vector<1x16xf32> to vector<16xf32>
      %swap3A_80 = vector.shape_cast %broadcast_in_dim3A_75 : vector<16xf32> to vector<1x16xf32>
      tpu.vector_store %arg9[%swap3A_76, %swap3A_77], %swap3A_80 {strides = array<i32>} : memref<78x128xf32, #tpu.memory_space<vmem>>, vector<1x16xf32>,
      %broadcast_in_dim3A_81 = arith.constant 0.000000e+00 : f32
      %broadcast_in_dim3A_82 = vector.broadcast %broadcast_in_dim3A_81 : f32 to vector<16xf32>
      %swap3A_83 = arith.index_cast %scan3A_40 : i32 to index
      %swap3A_84 = arith.constant 96 : index
      %swap3A_85 = tpu.vector_load %arg9[%swap3A_83, %swap3A_84] {strides = array<i32>} : memref<78x128xf32, #tpu.memory_space<vmem>>, vector<1x16xf32>,
      %swap3A_86 = vector.shape_cast %swap3A_85 : vector<1x16xf32> to vector<16xf32>
      %swap3A_87 = vector.shape_cast %broadcast_in_dim3A_82 : vector<16xf32> to vector<1x16xf32>
      tpu.vector_store %arg9[%swap3A_83, %swap3A_84], %swap3A_87 {strides = array<i32>} : memref<78x128xf32, #tpu.memory_space<vmem>>, vector<1x16xf32>,
      %broadcast_in_dim3A_88 = arith.constant 0.000000e+00 : f32
      %broadcast_in_dim3A_89 = vector.broadcast %broadcast_in_dim3A_88 : f32 to vector<16xf32>
      %swap3A_90 = arith.index_cast %scan3A_40 : i32 to index
      %swap3A_91 = arith.constant 112 : index
      %swap3A_92 = tpu.vector_load %arg9[%swap3A_90, %swap3A_91] {strides = array<i32>} : memref<78x128xf32, #tpu.memory_space<vmem>>, vector<1x16xf32>,
      %swap3A_93 = vector.shape_cast %swap3A_92 : vector<1x16xf32> to vector<16xf32>
      %swap3A_94 = vector.shape_cast %broadcast_in_dim3A_89 : vector<16xf32> to vector<1x16xf32>
      tpu.vector_store %arg9[%swap3A_90, %swap3A_91], %swap3A_94 {strides = array<i32>} : memref<78x128xf32, #tpu.memory_space<vmem>>, vector<1x16xf32>,
    }
    %scan3A_5 = arith.constant 78 : i32
    %mul3A_6 = arith.constant 624 : i32
    %mul3A_7 = arith.muli %arg1, %mul3A_6 : i32
    %add3A_8 = arith.constant 0 : i32
    %add3A_9 = arith.addi %mul3A_7, %add3A_8 : i32
    "tpu.region"() ({
      %run_scoped3A = tpu.sem_alloc : memref<!tpu.dma_semaphore, #tpu.memory_space<semaphore_mem>>
      %dma_start3A = arith.constant 0 : i32
      %dma_start3A_40 = tpu.memref_slice %arg10[%add3A_9, %dma_start3A] : memref<10000x128xf32, #tpu.memory_space<vmem_shared>> -> memref<78x128xf32, #tpu.memory_space<vmem_shared>>
      %dma_start3A_41 = arith.constant 0 : i32
      %dma_start3A_42 = tpu.memref_slice %arg10[%add3A_9, %dma_start3A_41] : memref<10000x128xf32, #tpu.memory_space<vmem_shared>> -> memref<78x128xf32, #tpu.memory_space<vmem_shared>>
      tpu.enqueue_dma source(%arg9 : memref<78x128xf32, #tpu.memory_space<vmem>>) target(%dma_start3A_42 : memref<78x128xf32, #tpu.memory_space<vmem_shared>>) target_semaphore(%run_scoped3A : memref<!tpu.dma_semaphore, #tpu.memory_space<semaphore_mem>>)
      %dma_wait3A = arith.constant 0 : i32
      %dma_wait3A_43 = tpu.memref_slice %arg10[%add3A_9, %dma_wait3A] : memref<10000x128xf32, #tpu.memory_space<vmem_shared>> -> memref<78x128xf32, #tpu.memory_space<vmem_shared>>
      %dma_wait3A_44 = arith.constant 0 : i32
      %dma_wait3A_45 = tpu.memref_slice %arg10[%add3A_9, %dma_wait3A_44] : memref<10000x128xf32, #tpu.memory_space<vmem_shared>> -> memref<78x128xf32, #tpu.memory_space<vmem_shared>>
      tpu.wait_dma2 semaphore(%run_scoped3A : memref<!tpu.dma_semaphore, #tpu.memory_space<semaphore_mem>>) src(%arg9 : memref<78x128xf32, #tpu.memory_space<vmem>>) dst(%dma_wait3A_45 : memref<78x128xf32, #tpu.memory_space<vmem_shared>>)
      tpu.yield
    }) : () -> ()
    %add3A_10 = arith.constant 78 : i32
    %add3A_11 = arith.addi %mul3A_7, %add3A_10 : i32
    "tpu.region"() ({
      %run_scoped3A = tpu.sem_alloc : memref<!tpu.dma_semaphore, #tpu.memory_space<semaphore_mem>>
      %dma_start3A = arith.constant 0 : i32
      %dma_start3A_40 = tpu.memref_slice %arg10[%add3A_11, %dma_start3A] : memref<10000x128xf32, #tpu.memory_space<vmem_shared>> -> memref<78x128xf32, #tpu.memory_space<vmem_shared>>
      %dma_start3A_41 = arith.constant 0 : i32
      %dma_start3A_42 = tpu.memref_slice %arg10[%add3A_11, %dma_start3A_41] : memref<10000x128xf32, #tpu.memory_space<vmem_shared>> -> memref<78x128xf32, #tpu.memory_space<vmem_shared>>
      tpu.enqueue_dma source(%arg9 : memref<78x128xf32, #tpu.memory_space<vmem>>) target(%dma_start3A_42 : memref<78x128xf32, #tpu.memory_space<vmem_shared>>) target_semaphore(%run_scoped3A : memref<!tpu.dma_semaphore, #tpu.memory_space<semaphore_mem>>)
      %dma_wait3A = arith.constant 0 : i32
      %dma_wait3A_43 = tpu.memref_slice %arg10[%add3A_11, %dma_wait3A] : memref<10000x128xf32, #tpu.memory_space<vmem_shared>> -> memref<78x128xf32, #tpu.memory_space<vmem_shared>>
      %dma_wait3A_44 = arith.constant 0 : i32
      %dma_wait3A_45 = tpu.memref_slice %arg10[%add3A_11, %dma_wait3A_44] : memref<10000x128xf32, #tpu.memory_space<vmem_shared>> -> memref<78x128xf32, #tpu.memory_space<vmem_shared>>
      tpu.wait_dma2 semaphore(%run_scoped3A : memref<!tpu.dma_semaphore, #tpu.memory_space<semaphore_mem>>) src(%arg9 : memref<78x128xf32, #tpu.memory_space<vmem>>) dst(%dma_wait3A_45 : memref<78x128xf32, #tpu.memory_space<vmem_shared>>)
      tpu.yield
    }) : () -> ()
    %add3A_12 = arith.constant 156 : i32
    %add3A_13 = arith.addi %mul3A_7, %add3A_12 : i32
    "tpu.region"() ({
      %run_scoped3A = tpu.sem_alloc : memref<!tpu.dma_semaphore, #tpu.memory_space<semaphore_mem>>
      %dma_start3A = arith.constant 0 : i32
      %dma_start3A_40 = tpu.memref_slice %arg10[%add3A_13, %dma_start3A] : memref<10000x128xf32, #tpu.memory_space<vmem_shared>> -> memref<78x128xf32, #tpu.memory_space<vmem_shared>>
      %dma_start3A_41 = arith.constant 0 : i32
      %dma_start3A_42 = tpu.memref_slice %arg10[%add3A_13, %dma_start3A_41] : memref<10000x128xf32, #tpu.memory_space<vmem_shared>> -> memref<78x128xf32, #tpu.memory_space<vmem_shared>>
      tpu.enqueue_dma source(%arg9 : memref<78x128xf32, #tpu.memory_space<vmem>>) target(%dma_start3A_42 : memref<78x128xf32, #tpu.memory_space<vmem_shared>>) target_semaphore(%run_scoped3A : memref<!tpu.dma_semaphore, #tpu.memory_space<semaphore_mem>>)
      %dma_wait3A = arith.constant 0 : i32
      %dma_wait3A_43 = tpu.memref_slice %arg10[%add3A_13, %dma_wait3A] : memref<10000x128xf32, #tpu.memory_space<vmem_shared>> -> memref<78x128xf32, #tpu.memory_space<vmem_shared>>
      %dma_wait3A_44 = arith.constant 0 : i32
      %dma_wait3A_45 = tpu.memref_slice %arg10[%add3A_13, %dma_wait3A_44] : memref<10000x128xf32, #tpu.memory_space<vmem_shared>> -> memref<78x128xf32, #tpu.memory_space<vmem_shared>>
      tpu.wait_dma2 semaphore(%run_scoped3A : memref<!tpu.dma_semaphore, #tpu.memory_space<semaphore_mem>>) src(%arg9 : memref<78x128xf32, #tpu.memory_space<vmem>>) dst(%dma_wait3A_45 : memref<78x128xf32, #tpu.memory_space<vmem_shared>>)
      tpu.yield
    }) : () -> ()
    %add3A_14 = arith.constant 234 : i32
    %add3A_15 = arith.addi %mul3A_7, %add3A_14 : i32
    "tpu.region"() ({
      %run_scoped3A = tpu.sem_alloc : memref<!tpu.dma_semaphore, #tpu.memory_space<semaphore_mem>>
      %dma_start3A = arith.constant 0 : i32
      %dma_start3A_40 = tpu.memref_slice %arg10[%add3A_15, %dma_start3A] : memref<10000x128xf32, #tpu.memory_space<vmem_shared>> -> memref<78x128xf32, #tpu.memory_space<vmem_shared>>
      %dma_start3A_41 = arith.constant 0 : i32
      %dma_start3A_42 = tpu.memref_slice %arg10[%add3A_15, %dma_start3A_41] : memref<10000x128xf32, #tpu.memory_space<vmem_shared>> -> memref<78x128xf32, #tpu.memory_space<vmem_shared>>
      tpu.enqueue_dma source(%arg9 : memref<78x128xf32, #tpu.memory_space<vmem>>) target(%dma_start3A_42 : memref<78x128xf32, #tpu.memory_space<vmem_shared>>) target_semaphore(%run_scoped3A : memref<!tpu.dma_semaphore, #tpu.memory_space<semaphore_mem>>)
      %dma_wait3A = arith.constant 0 : i32
      %dma_wait3A_43 = tpu.memref_slice %arg10[%add3A_15, %dma_wait3A] : memref<10000x128xf32, #tpu.memory_space<vmem_shared>> -> memref<78x128xf32, #tpu.memory_space<vmem_shared>>
      %dma_wait3A_44 = arith.constant 0 : i32
      %dma_wait3A_45 = tpu.memref_slice %arg10[%add3A_15, %dma_wait3A_44] : memref<10000x128xf32, #tpu.memory_space<vmem_shared>> -> memref<78x128xf32, #tpu.memory_space<vmem_shared>>
      tpu.wait_dma2 semaphore(%run_scoped3A : memref<!tpu.dma_semaphore, #tpu.memory_space<semaphore_mem>>) src(%arg9 : memref<78x128xf32, #tpu.memory_space<vmem>>) dst(%dma_wait3A_45 : memref<78x128xf32, #tpu.memory_space<vmem_shared>>)
      tpu.yield
    }) : () -> ()
    %add3A_16 = arith.constant 312 : i32
    %add3A_17 = arith.addi %mul3A_7, %add3A_16 : i32
    "tpu.region"() ({
      %run_scoped3A = tpu.sem_alloc : memref<!tpu.dma_semaphore, #tpu.memory_space<semaphore_mem>>
      %dma_start3A = arith.constant 0 : i32
      %dma_start3A_40 = tpu.memref_slice %arg10[%add3A_17, %dma_start3A] : memref<10000x128xf32, #tpu.memory_space<vmem_shared>> -> memref<78x128xf32, #tpu.memory_space<vmem_shared>>
      %dma_start3A_41 = arith.constant 0 : i32
      %dma_start3A_42 = tpu.memref_slice %arg10[%add3A_17, %dma_start3A_41] : memref<10000x128xf32, #tpu.memory_space<vmem_shared>> -> memref<78x128xf32, #tpu.memory_space<vmem_shared>>
      tpu.enqueue_dma source(%arg9 : memref<78x128xf32, #tpu.memory_space<vmem>>) target(%dma_start3A_42 : memref<78x128xf32, #tpu.memory_space<vmem_shared>>) target_semaphore(%run_scoped3A : memref<!tpu.dma_semaphore, #tpu.memory_space<semaphore_mem>>)
      %dma_wait3A = arith.constant 0 : i32
      %dma_wait3A_43 = tpu.memref_slice %arg10[%add3A_17, %dma_wait3A] : memref<10000x128xf32, #tpu.memory_space<vmem_shared>> -> memref<78x128xf32, #tpu.memory_space<vmem_shared>>
      %dma_wait3A_44 = arith.constant 0 : i32
      %dma_wait3A_45 = tpu.memref_slice %arg10[%add3A_17, %dma_wait3A_44] : memref<10000x128xf32, #tpu.memory_space<vmem_shared>> -> memref<78x128xf32, #tpu.memory_space<vmem_shared>>
      tpu.wait_dma2 semaphore(%run_scoped3A : memref<!tpu.dma_semaphore, #tpu.memory_space<semaphore_mem>>) src(%arg9 : memref<78x128xf32, #tpu.memory_space<vmem>>) dst(%dma_wait3A_45 : memref<78x128xf32, #tpu.memory_space<vmem_shared>>)
      tpu.yield
    }) : () -> ()
    %add3A_18 = arith.constant 390 : i32
    %add3A_19 = arith.addi %mul3A_7, %add3A_18 : i32
    "tpu.region"() ({
      %run_scoped3A = tpu.sem_alloc : memref<!tpu.dma_semaphore, #tpu.memory_space<semaphore_mem>>
      %dma_start3A = arith.constant 0 : i32
      %dma_start3A_40 = tpu.memref_slice %arg10[%add3A_19, %dma_start3A] : memref<10000x128xf32, #tpu.memory_space<vmem_shared>> -> memref<78x128xf32, #tpu.memory_space<vmem_shared>>
      %dma_start3A_41 = arith.constant 0 : i32
      %dma_start3A_42 = tpu.memref_slice %arg10[%add3A_19, %dma_start3A_41] : memref<10000x128xf32, #tpu.memory_space<vmem_shared>> -> memref<78x128xf32, #tpu.memory_space<vmem_shared>>
      tpu.enqueue_dma source(%arg9 : memref<78x128xf32, #tpu.memory_space<vmem>>) target(%dma_start3A_42 : memref<78x128xf32, #tpu.memory_space<vmem_shared>>) target_semaphore(%run_scoped3A : memref<!tpu.dma_semaphore, #tpu.memory_space<semaphore_mem>>)
      %dma_wait3A = arith.constant 0 : i32
      %dma_wait3A_43 = tpu.memref_slice %arg10[%add3A_19, %dma_wait3A] : memref<10000x128xf32, #tpu.memory_space<vmem_shared>> -> memref<78x128xf32, #tpu.memory_space<vmem_shared>>
      %dma_wait3A_44 = arith.constant 0 : i32
      %dma_wait3A_45 = tpu.memref_slice %arg10[%add3A_19, %dma_wait3A_44] : memref<10000x128xf32, #tpu.memory_space<vmem_shared>> -> memref<78x128xf32, #tpu.memory_space<vmem_shared>>
      tpu.wait_dma2 semaphore(%run_scoped3A : memref<!tpu.dma_semaphore, #tpu.memory_space<semaphore_mem>>) src(%arg9 : memref<78x128xf32, #tpu.memory_space<vmem>>) dst(%dma_wait3A_45 : memref<78x128xf32, #tpu.memory_space<vmem_shared>>)
      tpu.yield
    }) : () -> ()
    %add3A_20 = arith.constant 468 : i32
    %add3A_21 = arith.addi %mul3A_7, %add3A_20 : i32
    "tpu.region"() ({
      %run_scoped3A = tpu.sem_alloc : memref<!tpu.dma_semaphore, #tpu.memory_space<semaphore_mem>>
      %dma_start3A = arith.constant 0 : i32
      %dma_start3A_40 = tpu.memref_slice %arg10[%add3A_21, %dma_start3A] : memref<10000x128xf32, #tpu.memory_space<vmem_shared>> -> memref<78x128xf32, #tpu.memory_space<vmem_shared>>
      %dma_start3A_41 = arith.constant 0 : i32
      %dma_start3A_42 = tpu.memref_slice %arg10[%add3A_21, %dma_start3A_41] : memref<10000x128xf32, #tpu.memory_space<vmem_shared>> -> memref<78x128xf32, #tpu.memory_space<vmem_shared>>
      tpu.enqueue_dma source(%arg9 : memref<78x128xf32, #tpu.memory_space<vmem>>) target(%dma_start3A_42 : memref<78x128xf32, #tpu.memory_space<vmem_shared>>) target_semaphore(%run_scoped3A : memref<!tpu.dma_semaphore, #tpu.memory_space<semaphore_mem>>)
      %dma_wait3A = arith.constant 0 : i32
      %dma_wait3A_43 = tpu.memref_slice %arg10[%add3A_21, %dma_wait3A] : memref<10000x128xf32, #tpu.memory_space<vmem_shared>> -> memref<78x128xf32, #tpu.memory_space<vmem_shared>>
      %dma_wait3A_44 = arith.constant 0 : i32
      %dma_wait3A_45 = tpu.memref_slice %arg10[%add3A_21, %dma_wait3A_44] : memref<10000x128xf32, #tpu.memory_space<vmem_shared>> -> memref<78x128xf32, #tpu.memory_space<vmem_shared>>
      tpu.wait_dma2 semaphore(%run_scoped3A : memref<!tpu.dma_semaphore, #tpu.memory_space<semaphore_mem>>) src(%arg9 : memref<78x128xf32, #tpu.memory_space<vmem>>) dst(%dma_wait3A_45 : memref<78x128xf32, #tpu.memory_space<vmem_shared>>)
      tpu.yield
    }) : () -> ()
    %add3A_22 = arith.constant 546 : i32
    %add3A_23 = arith.addi %mul3A_7, %add3A_22 : i32
    "tpu.region"() ({
      %run_scoped3A = tpu.sem_alloc : memref<!tpu.dma_semaphore, #tpu.memory_space<semaphore_mem>>
      %dma_start3A = arith.constant 0 : i32
      %dma_start3A_40 = tpu.memref_slice %arg10[%add3A_23, %dma_start3A] : memref<10000x128xf32, #tpu.memory_space<vmem_shared>> -> memref<78x128xf32, #tpu.memory_space<vmem_shared>>
      %dma_start3A_41 = arith.constant 0 : i32
      %dma_start3A_42 = tpu.memref_slice %arg10[%add3A_23, %dma_start3A_41] : memref<10000x128xf32, #tpu.memory_space<vmem_shared>> -> memref<78x128xf32, #tpu.memory_space<vmem_shared>>
      tpu.enqueue_dma source(%arg9 : memref<78x128xf32, #tpu.memory_space<vmem>>) target(%dma_start3A_42 : memref<78x128xf32, #tpu.memory_space<vmem_shared>>) target_semaphore(%run_scoped3A : memref<!tpu.dma_semaphore, #tpu.memory_space<semaphore_mem>>)
      %dma_wait3A = arith.constant 0 : i32
      %dma_wait3A_43 = tpu.memref_slice %arg10[%add3A_23, %dma_wait3A] : memref<10000x128xf32, #tpu.memory_space<vmem_shared>> -> memref<78x128xf32, #tpu.memory_space<vmem_shared>>
      %dma_wait3A_44 = arith.constant 0 : i32
      %dma_wait3A_45 = tpu.memref_slice %arg10[%add3A_23, %dma_wait3A_44] : memref<10000x128xf32, #tpu.memory_space<vmem_shared>> -> memref<78x128xf32, #tpu.memory_space<vmem_shared>>
      tpu.wait_dma2 semaphore(%run_scoped3A : memref<!tpu.dma_semaphore, #tpu.memory_space<semaphore_mem>>) src(%arg9 : memref<78x128xf32, #tpu.memory_space<vmem>>) dst(%dma_wait3A_45 : memref<78x128xf32, #tpu.memory_space<vmem_shared>>)
      tpu.yield
    }) : () -> ()
    %eq3A = arith.constant 15 : i32
    %eq3A_24 = arith.cmpi eq, %arg1, %eq3A : i32
    %convert_element_type3A = arith.extui %eq3A_24 : i1 to i32
    %cond3A = arith.constant 0 : i32
    %cond3A_25 = arith.cmpi ne, %convert_element_type3A, %cond3A : i32
    scf.if %cond3A_25 {
      "tpu.region"() ({
        %run_scoped3A = tpu.sem_alloc : memref<!tpu.dma_semaphore, #tpu.memory_space<semaphore_mem>>
        %dma_start3A = arith.constant 0 : i32
        %dma_start3A_40 = arith.constant 0 : i32
        %dma_start3A_41 = tpu.memref_slice %arg9[%dma_start3A, %dma_start3A_40] : memref<78x128xf32, #tpu.memory_space<vmem>> -> memref<16x128xf32, #tpu.memory_space<vmem>>
        %dma_start3A_42 = arith.constant 9984 : i32
        %dma_start3A_43 = arith.constant 0 : i32
        %dma_start3A_44 = tpu.memref_slice %arg10[%dma_start3A_42, %dma_start3A_43] : memref<10000x128xf32, #tpu.memory_space<vmem_shared>> -> memref<16x128xf32, #tpu.memory_space<vmem_shared>>
        %dma_start3A_45 = arith.constant 9984 : i32
        %dma_start3A_46 = arith.constant 0 : i32
        %dma_start3A_47 = tpu.memref_slice %arg10[%dma_start3A_45, %dma_start3A_46] : memref<10000x128xf32, #tpu.memory_space<vmem_shared>> -> memref<16x128xf32, #tpu.memory_space<vmem_shared>>
        %dma_start3A_48 = arith.constant 0 : i32
        %dma_start3A_49 = arith.constant 0 : i32
        %dma_start3A_50 = tpu.memref_slice %arg9[%dma_start3A_48, %dma_start3A_49] : memref<78x128xf32, #tpu.memory_space<vmem>> -> memref<16x128xf32, #tpu.memory_space<vmem>>
        tpu.enqueue_dma source(%dma_start3A_50 : memref<16x128xf32, #tpu.memory_space<vmem>>) target(%dma_start3A_47 : memref<16x128xf32, #tpu.memory_space<vmem_shared>>) target_semaphore(%run_scoped3A : memref<!tpu.dma_semaphore, #tpu.memory_space<semaphore_mem>>)
        %dma_wait3A = arith.constant 0 : i32
        %dma_wait3A_51 = arith.constant 0 : i32
        %dma_wait3A_52 = tpu.memref_slice %arg9[%dma_wait3A, %dma_wait3A_51] : memref<78x128xf32, #tpu.memory_space<vmem>> -> memref<16x128xf32, #tpu.memory_space<vmem>>
        %dma_wait3A_53 = arith.constant 9984 : i32
        %dma_wait3A_54 = arith.constant 0 : i32
        %dma_wait3A_55 = tpu.memref_slice %arg10[%dma_wait3A_53, %dma_wait3A_54] : memref<10000x128xf32, #tpu.memory_space<vmem_shared>> -> memref<16x128xf32, #tpu.memory_space<vmem_shared>>
        %dma_wait3A_56 = arith.constant 9984 : i32
        %dma_wait3A_57 = arith.constant 0 : i32
        %dma_wait3A_58 = tpu.memref_slice %arg10[%dma_wait3A_56, %dma_wait3A_57] : memref<10000x128xf32, #tpu.memory_space<vmem_shared>> -> memref<16x128xf32, #tpu.memory_space<vmem_shared>>
        %dma_wait3A_59 = arith.constant 0 : i32
        %dma_wait3A_60 = arith.constant 0 : i32
        %dma_wait3A_61 = tpu.memref_slice %arg9[%dma_wait3A_59, %dma_wait3A_60] : memref<78x128xf32, #tpu.memory_space<vmem>> -> memref<16x128xf32, #tpu.memory_space<vmem>>
        tpu.wait_dma2 semaphore(%run_scoped3A : memref<!tpu.dma_semaphore, #tpu.memory_space<semaphore_mem>>) src(%dma_wait3A_61 : memref<16x128xf32, #tpu.memory_space<vmem>>) dst(%dma_wait3A_58 : memref<16x128xf32, #tpu.memory_space<vmem_shared>>)
        tpu.yield
      }) : () -> ()
    } else {
    }
    %barrier3A = arith.constant 0 : index
    tpu.barrier barrier_id(%barrier3A)
    %mul3A_26 = arith.constant 10000 : i32
    %mul3A_27 = arith.muli %add3A, %mul3A_26 : i32
    %scan3A_28 = arith.constant 0 : i32
    %scan3A_29 = arith.constant 0 : i32
    %scan3A_30 = arith.constant 125 : i32
    %scan3A_31 = arith.addi %scan3A_29, %scan3A_30 : i32
    %scan3A_32 = arith.constant 1 : i32
    scf.for %scan3A_40 = %scan3A_29 to %scan3A_31 step %scan3A_32  : i32 {
      %mul3A_41 = arith.constant 80 : i32
      %mul3A_42 = arith.muli %scan3A_40, %mul3A_41 : i32
      %add3A_43 = arith.addi %mul3A_27, %mul3A_42 : i32
      "tpu.region"() ({
        %run_scoped3A = tpu.sem_alloc : memref<!tpu.dma_semaphore, #tpu.memory_space<semaphore_mem>>
        %dma_start3A_48 = tpu.memref_slice %arg3[%add3A_43] : memref<320000xi32, #tpu.memory_space<hbm>> -> memref<80xi32, #tpu.memory_space<hbm>>
        %dma_start3A_49 = tpu.memref_slice %arg3[%add3A_43] : memref<320000xi32, #tpu.memory_space<hbm>> -> memref<80xi32, #tpu.memory_space<hbm>>
        tpu.enqueue_dma source(%dma_start3A_49 : memref<80xi32, #tpu.memory_space<hbm>>) target(%arg6 : memref<80xi32, #tpu.memory_space<vmem>>) target_semaphore(%run_scoped3A : memref<!tpu.dma_semaphore, #tpu.memory_space<semaphore_mem>>)
        %dma_wait3A_50 = tpu.memref_slice %arg3[%add3A_43] : memref<320000xi32, #tpu.memory_space<hbm>> -> memref<80xi32, #tpu.memory_space<hbm>>
        %dma_wait3A_51 = tpu.memref_slice %arg3[%add3A_43] : memref<320000xi32, #tpu.memory_space<hbm>> -> memref<80xi32, #tpu.memory_space<hbm>>
        tpu.wait_dma2 semaphore(%run_scoped3A : memref<!tpu.dma_semaphore, #tpu.memory_space<semaphore_mem>>) src(%dma_wait3A_51 : memref<80xi32, #tpu.memory_space<hbm>>) dst(%arg6 : memref<80xi32, #tpu.memory_space<vmem>>)
        tpu.yield
      }) : () -> ()
      "tpu.region"() ({
        %run_scoped3A = tpu.sem_alloc : memref<!tpu.dma_semaphore, #tpu.memory_space<semaphore_mem>>
        %dma_start3A_48 = tpu.memref_slice %arg4[%add3A_43] : memref<320000xi32, #tpu.memory_space<hbm>> -> memref<80xi32, #tpu.memory_space<hbm>>
        %dma_start3A_49 = tpu.memref_slice %arg4[%add3A_43] : memref<320000xi32, #tpu.memory_space<hbm>> -> memref<80xi32, #tpu.memory_space<hbm>>
        tpu.enqueue_dma source(%dma_start3A_49 : memref<80xi32, #tpu.memory_space<hbm>>) target(%arg7 : memref<80xi32, #tpu.memory_space<vmem>>) target_semaphore(%run_scoped3A : memref<!tpu.dma_semaphore, #tpu.memory_space<semaphore_mem>>)
        %dma_wait3A_50 = tpu.memref_slice %arg4[%add3A_43] : memref<320000xi32, #tpu.memory_space<hbm>> -> memref<80xi32, #tpu.memory_space<hbm>>
        %dma_wait3A_51 = tpu.memref_slice %arg4[%add3A_43] : memref<320000xi32, #tpu.memory_space<hbm>> -> memref<80xi32, #tpu.memory_space<hbm>>
        tpu.wait_dma2 semaphore(%run_scoped3A : memref<!tpu.dma_semaphore, #tpu.memory_space<semaphore_mem>>) src(%dma_wait3A_51 : memref<80xi32, #tpu.memory_space<hbm>>) dst(%arg7 : memref<80xi32, #tpu.memory_space<vmem>>)
        tpu.yield
      }) : () -> ()
      %dma_start3A = arith.constant 0 : i32
      %dma_start3A_44 = arith.constant 0 : i32
      %dma_start3A_45 = tpu.memref_slice %arg2[%dma_start3A, %dma_start3A_44] : memref<10000x128xf32, #tpu.memory_space<hbm>> -> memref<10000x128xf32, #tpu.memory_space<hbm>>
      tpu.enqueue_indirect_dma source(%dma_start3A_45 : memref<10000x128xf32, #tpu.memory_space<hbm>>) target(%arg8 : memref<80x128xf32, #tpu.memory_space<vmem>>) offsets(%arg6 : memref<80xi32, #tpu.memory_space<vmem>>) semaphore(%arg11 : memref<!tpu.dma_semaphore, #tpu.memory_space<semaphore_mem>>)
      %dma_wait3A = arith.constant 0 : i32
      %dma_wait3A_46 = arith.constant 0 : i32
      %dma_wait3A_47 = tpu.memref_slice %arg2[%dma_wait3A, %dma_wait3A_46] : memref<10000x128xf32, #tpu.memory_space<hbm>> -> memref<10000x128xf32, #tpu.memory_space<hbm>>
      tpu.wait_indirect_dma semaphore(%arg11 : memref<!tpu.dma_semaphore, #tpu.memory_space<semaphore_mem>>) src(%dma_wait3A_47 : memref<10000x128xf32, #tpu.memory_space<hbm>>) dst(%arg8 : memref<80x128xf32, #tpu.memory_space<vmem>>)
      "tpu.region"() ({
        %run_scoped3A = tpu.sem_alloc : memref<!tpu.dma_semaphore, #tpu.memory_space<semaphore_mem>>
        %dma_start3A_48 = arith.constant 0 : i32
        %dma_start3A_49 = arith.constant 0 : i32
        %dma_start3A_50 = tpu.memref_slice %arg10[%dma_start3A_48, %dma_start3A_49] : memref<10000x128xf32, #tpu.memory_space<vmem_shared>> -> memref<10000x128xf32, #tpu.memory_space<vmem_shared>>
        tpu.enqueue_indirect_dma source(%arg8 : memref<80x128xf32, #tpu.memory_space<vmem>>) target(%dma_start3A_50 : memref<10000x128xf32, #tpu.memory_space<vmem_shared>>) offsets(%arg7 : memref<80xi32, #tpu.memory_space<vmem>>) semaphore(%run_scoped3A : memref<!tpu.dma_semaphore, #tpu.memory_space<semaphore_mem>>) {add = true}
        %dma_wait3A_51 = arith.constant 0 : i32
        %dma_wait3A_52 = arith.constant 0 : i32
        %dma_wait3A_53 = tpu.memref_slice %arg10[%dma_wait3A_51, %dma_wait3A_52] : memref<10000x128xf32, #tpu.memory_space<vmem_shared>> -> memref<10000x128xf32, #tpu.memory_space<vmem_shared>>
        tpu.wait_indirect_dma semaphore(%run_scoped3A : memref<!tpu.dma_semaphore, #tpu.memory_space<semaphore_mem>>) src(%arg8 : memref<80x128xf32, #tpu.memory_space<vmem>>) dst(%dma_wait3A_53 : memref<10000x128xf32, #tpu.memory_space<vmem_shared>>)
        tpu.yield
      }) : () -> ()
    }
    %scan3A_33 = arith.constant 125 : i32
    %barrier3A_34 = arith.constant 0 : index
    tpu.barrier barrier_id(%barrier3A_34)
    "tpu.region"() ({
      %run_scoped3A = tpu.sem_alloc : memref<!tpu.dma_semaphore, #tpu.memory_space<semaphore_mem>>
      %dma_start3A = arith.constant 0 : i32
      %dma_start3A_40 = tpu.memref_slice %arg5[%arg0, %mul3A_7, %dma_start3A] : memref<2x10000x128xf32, #tpu.memory_space<hbm>> -> memref<1x624x128xf32, #tpu.memory_space<hbm>>
      %dma_start3A_41 = tpu.memref_squeeze %dma_start3A_40 : memref<1x624x128xf32, #tpu.memory_space<hbm>> -> memref<624x128xf32, #tpu.memory_space<hbm>>
      %dma_start3A_42 = arith.constant 0 : i32
      %dma_start3A_43 = tpu.memref_slice %arg10[%mul3A_7, %dma_start3A_42] : memref<10000x128xf32, #tpu.memory_space<vmem_shared>> -> memref<624x128xf32, #tpu.memory_space<vmem_shared>>
      tpu.enqueue_dma source(%dma_start3A_43 : memref<624x128xf32, #tpu.memory_space<vmem_shared>>) target(%dma_start3A_41 : memref<624x128xf32, #tpu.memory_space<hbm>>) target_semaphore(%run_scoped3A : memref<!tpu.dma_semaphore, #tpu.memory_space<semaphore_mem>>)
      %dma_wait3A = arith.constant 0 : i32
      %dma_wait3A_44 = tpu.memref_slice %arg5[%arg0, %mul3A_7, %dma_wait3A] : memref<2x10000x128xf32, #tpu.memory_space<hbm>> -> memref<1x624x128xf32, #tpu.memory_space<hbm>>
      %dma_wait3A_45 = tpu.memref_squeeze %dma_wait3A_44 : memref<1x624x128xf32, #tpu.memory_space<hbm>> -> memref<624x128xf32, #tpu.memory_space<hbm>>
      %dma_wait3A_46 = arith.constant 0 : i32
      %dma_wait3A_47 = tpu.memref_slice %arg10[%mul3A_7, %dma_wait3A_46] : memref<10000x128xf32, #tpu.memory_space<vmem_shared>> -> memref<624x128xf32, #tpu.memory_space<vmem_shared>>
      tpu.wait_dma2 semaphore(%run_scoped3A : memref<!tpu.dma_semaphore, #tpu.memory_space<semaphore_mem>>) src(%dma_wait3A_47 : memref<624x128xf32, #tpu.memory_space<vmem_shared>>) dst(%dma_wait3A_45 : memref<624x128xf32, #tpu.memory_space<hbm>>)
      tpu.yield
    }) : () -> ()
    %eq3A_35 = arith.constant 15 : i32
    %eq3A_36 = arith.cmpi eq, %arg1, %eq3A_35 : i32
    %convert_element_type3A_37 = arith.extui %eq3A_36 : i1 to i32
    %cond3A_38 = arith.constant 0 : i32
    %cond3A_39 = arith.cmpi ne, %convert_element_type3A_37, %cond3A_38 : i32
    scf.if %cond3A_39 {
      "tpu.region"() ({
        %run_scoped3A = tpu.sem_alloc : memref<!tpu.dma_semaphore, #tpu.memory_space<semaphore_mem>>
        %dma_start3A = arith.constant 9984 : i32
        %dma_start3A_40 = arith.constant 0 : i32
        %dma_start3A_41 = tpu.memref_slice %arg5[%arg0, %dma_start3A, %dma_start3A_40] : memref<2x10000x128xf32, #tpu.memory_space<hbm>> -> memref<1x16x128xf32, #tpu.memory_space<hbm>>
        %dma_start3A_42 = tpu.memref_squeeze %dma_start3A_41 : memref<1x16x128xf32, #tpu.memory_space<hbm>> -> memref<16x128xf32, #tpu.memory_space<hbm>>
        %dma_start3A_43 = arith.constant 9984 : i32
        %dma_start3A_44 = arith.constant 0 : i32
        %dma_start3A_45 = tpu.memref_slice %arg10[%dma_start3A_43, %dma_start3A_44] : memref<10000x128xf32, #tpu.memory_space<vmem_shared>> -> memref<16x128xf32, #tpu.memory_space<vmem_shared>>
        tpu.enqueue_dma source(%dma_start3A_45 : memref<16x128xf32, #tpu.memory_space<vmem_shared>>) target(%dma_start3A_42 : memref<16x128xf32, #tpu.memory_space<hbm>>) target_semaphore(%run_scoped3A : memref<!tpu.dma_semaphore, #tpu.memory_space<semaphore_mem>>)
        %dma_wait3A = arith.constant 9984 : i32
        %dma_wait3A_46 = arith.constant 0 : i32
        %dma_wait3A_47 = tpu.memref_slice %arg5[%arg0, %dma_wait3A, %dma_wait3A_46] : memref<2x10000x128xf32, #tpu.memory_space<hbm>> -> memref<1x16x128xf32, #tpu.memory_space<hbm>>
        %dma_wait3A_48 = tpu.memref_squeeze %dma_wait3A_47 : memref<1x16x128xf32, #tpu.memory_space<hbm>> -> memref<16x128xf32, #tpu.memory_space<hbm>>
        %dma_wait3A_49 = arith.constant 9984 : i32
        %dma_wait3A_50 = arith.constant 0 : i32
        %dma_wait3A_51 = tpu.memref_slice %arg10[%dma_wait3A_49, %dma_wait3A_50] : memref<10000x128xf32, #tpu.memory_space<vmem_shared>> -> memref<16x128xf32, #tpu.memory_space<vmem_shared>>
        tpu.wait_dma2 semaphore(%run_scoped3A : memref<!tpu.dma_semaphore, #tpu.memory_space<semaphore_mem>>) src(%dma_wait3A_51 : memref<16x128xf32, #tpu.memory_space<vmem_shared>>) dst(%dma_wait3A_48 : memref<16x128xf32, #tpu.memory_space<hbm>>)
        tpu.yield
      }) : () -> ()
    } else {
    }
    return
  }
}

#map = affine_map<(d0, d1) -> (0, 0)>
#map1 = affine_map<(d0, d1) -> (0)>
#map2 = affine_map<(d0, d1) -> (0, 0, 0)>
module attributes {stable_mosaic.version = 14 : i64} {
  func.func @agg(%arg0: i32, %arg1: i32, %arg2: memref<10000x128xf32, #tpu.memory_space<hbm>>, %arg3: memref<320000xi32, #tpu.memory_space<hbm>>, %arg4: memref<320000xi32, #tpu.memory_space<hbm>>, %arg5: memref<2x10000x128xf32, #tpu.memory_space<hbm>>, %arg6: memref<80xi32, #tpu.memory_space<vmem>>, %arg7: memref<80xi32, #tpu.memory_space<vmem>>, %arg8: memref<80x128xf32, #tpu.memory_space<vmem>>, %arg9: memref<78x128xf32, #tpu.memory_space<vmem>>, %arg10: memref<10000x128xf32, #tpu.memory_space<vmem_shared>>, %arg11: memref<!tpu.dma_semaphore, #tpu.memory_space<semaphore_mem>>) attributes {dimension_semantics = [#tpu.dimension_semantics<core_parallel>, #tpu.dimension_semantics<subcore_parallel>], iteration_bounds = array<i64: 2, 16>, scalar_prefetch = 0 : i64, scratch_operands = 6 : i64, tpu.core_type = #tpu.core_type<sc_vector_subcore>, window_params = [{transform_indices = #map}, {transform_indices = #map1}, {transform_indices = #map1}, {transform_indices = #map2}]} {
    %mul3A = arith.constant 2 : i32
    %mul3A_0 = arith.muli %arg1, %mul3A : i32
    %add3A = arith.addi %mul3A_0, %arg0 : i32
    %scan3A = arith.constant 0 : i32
    %scan3A_1 = arith.constant 0 : i32
    %scan3A_2 = arith.constant 78 : i32
    %scan3A_3 = arith.addi %scan3A_1, %scan3A_2 : i32
    %scan3A_4 = arith.constant 1 : i32
    scf.for %scan3A_40 = %scan3A_1 to %scan3A_3 step %scan3A_4  : i32 {
      %broadcast_in_dim3A = arith.constant 0.000000e+00 : f32
      %broadcast_in_dim3A_41 = vector.broadcast %broadcast_in_dim3A : f32 to vector<16xf32>
      %swap3A = arith.index_cast %scan3A_40 : i32 to index
      %swap3A_42 = arith.constant 0 : index
      %swap3A_43 = tpu.vector_load %arg9[%swap3A, %swap3A_42] {strides = array<i32>} : memref<78x128xf32, #tpu.memory_space<vmem>>, vector<1x16xf32>,
      %swap3A_44 = vector.shape_cast %swap3A_43 : vector<1x16xf32> to vector<16xf32>
      %swap3A_45 = vector.shape_cast %broadcast_in_dim3A_41 : vector<16xf32> to vector<1x16xf32>
      tpu.vector_store %arg9[%swap3A, %swap3A_42], %swap3A_45 {strides = array<i32>} : memref<78x128xf32, #tpu.memory_space<vmem>>, vector<1x16xf32>,
      %broadcast_in_dim3A_46 = arith.constant 0.000000e+00 : f32
      %broadcast_in_dim3A_47 = vector.broadcast %broadcast_in_dim3A_46 : f32 to vector<16xf32>
      %swap3A_48 = arith.index_cast %scan3A_40 : i32 to index
      %swap3A_49 = arith.constant 16 : index
      %swap3A_50 = tpu.vector_load %arg9[%swap3A_48, %swap3A_49] {strides = array<i32>} : memref<78x128xf32, #tpu.memory_space<vmem>>, vector<1x16xf32>,
      %swap3A_51 = vector.shape_cast %swap3A_50 : vector<1x16xf32> to vector<16xf32>
      %swap3A_52 = vector.shape_cast %broadcast_in_dim3A_47 : vector<16xf32> to vector<1x16xf32>
      tpu.vector_store %arg9[%swap3A_48, %swap3A_49], %swap3A_52 {strides = array<i32>} : memref<78x128xf32, #tpu.memory_space<vmem>>, vector<1x16xf32>,
      %broadcast_in_dim3A_53 = arith.constant 0.000000e+00 : f32
      %broadcast_in_dim3A_54 = vector.broadcast %broadcast_in_dim3A_53 : f32 to vector<16xf32>
      %swap3A_55 = arith.index_cast %scan3A_40 : i32 to index
      %swap3A_56 = arith.constant 32 : index
      %swap3A_57 = tpu.vector_load %arg9[%swap3A_55, %swap3A_56] {strides = array<i32>} : memref<78x128xf32, #tpu.memory_space<vmem>>, vector<1x16xf32>,
      %swap3A_58 = vector.shape_cast %swap3A_57 : vector<1x16xf32> to vector<16xf32>
      %swap3A_59 = vector.shape_cast %broadcast_in_dim3A_54 : vector<16xf32> to vector<1x16xf32>
      tpu.vector_store %arg9[%swap3A_55, %swap3A_56], %swap3A_59 {strides = array<i32>} : memref<78x128xf32, #tpu.memory_space<vmem>>, vector<1x16xf32>,
      %broadcast_in_dim3A_60 = arith.constant 0.000000e+00 : f32
      %broadcast_in_dim3A_61 = vector.broadcast %broadcast_in_dim3A_60 : f32 to vector<16xf32>
      %swap3A_62 = arith.index_cast %scan3A_40 : i32 to index
      %swap3A_63 = arith.constant 48 : index
      %swap3A_64 = tpu.vector_load %arg9[%swap3A_62, %swap3A_63] {strides = array<i32>} : memref<78x128xf32, #tpu.memory_space<vmem>>, vector<1x16xf32>,
      %swap3A_65 = vector.shape_cast %swap3A_64 : vector<1x16xf32> to vector<16xf32>
      %swap3A_66 = vector.shape_cast %broadcast_in_dim3A_61 : vector<16xf32> to vector<1x16xf32>
      tpu.vector_store %arg9[%swap3A_62, %swap3A_63], %swap3A_66 {strides = array<i32>} : memref<78x128xf32, #tpu.memory_space<vmem>>, vector<1x16xf32>,
      %broadcast_in_dim3A_67 = arith.constant 0.000000e+00 : f32
      %broadcast_in_dim3A_68 = vector.broadcast %broadcast_in_dim3A_67 : f32 to vector<16xf32>
      %swap3A_69 = arith.index_cast %scan3A_40 : i32 to index
      %swap3A_70 = arith.constant 64 : index
      %swap3A_71 = tpu.vector_load %arg9[%swap3A_69, %swap3A_70] {strides = array<i32>} : memref<78x128xf32, #tpu.memory_space<vmem>>, vector<1x16xf32>,
      %swap3A_72 = vector.shape_cast %swap3A_71 : vector<1x16xf32> to vector<16xf32>
      %swap3A_73 = vector.shape_cast %broadcast_in_dim3A_68 : vector<16xf32> to vector<1x16xf32>
      tpu.vector_store %arg9[%swap3A_69, %swap3A_70], %swap3A_73 {strides = array<i32>} : memref<78x128xf32, #tpu.memory_space<vmem>>, vector<1x16xf32>,
      %broadcast_in_dim3A_74 = arith.constant 0.000000e+00 : f32
      %broadcast_in_dim3A_75 = vector.broadcast %broadcast_in_dim3A_74 : f32 to vector<16xf32>
      %swap3A_76 = arith.index_cast %scan3A_40 : i32 to index
      %swap3A_77 = arith.constant 80 : index
      %swap3A_78 = tpu.vector_load %arg9[%swap3A_76, %swap3A_77] {strides = array<i32>} : memref<78x128xf32, #tpu.memory_space<vmem>>, vector<1x16xf32>,
      %swap3A_79 = vector.shape_cast %swap3A_78 : vector<1x16xf32> to vector<16xf32>
      %swap3A_80 = vector.shape_cast %broadcast_in_dim3A_75 : vector<16xf32> to vector<1x16xf32>
      tpu.vector_store %arg9[%swap3A_76, %swap3A_77], %swap3A_80 {strides = array<i32>} : memref<78x128xf32, #tpu.memory_space<vmem>>, vector<1x16xf32>,
      %broadcast_in_dim3A_81 = arith.constant 0.000000e+00 : f32
      %broadcast_in_dim3A_82 = vector.broadcast %broadcast_in_dim3A_81 : f32 to vector<16xf32>
      %swap3A_83 = arith.index_cast %scan3A_40 : i32 to index
      %swap3A_84 = arith.constant 96 : index
      %swap3A_85 = tpu.vector_load %arg9[%swap3A_83, %swap3A_84] {strides = array<i32>} : memref<78x128xf32, #tpu.memory_space<vmem>>, vector<1x16xf32>,
      %swap3A_86 = vector.shape_cast %swap3A_85 : vector<1x16xf32> to vector<16xf32>
      %swap3A_87 = vector.shape_cast %broadcast_in_dim3A_82 : vector<16xf32> to vector<1x16xf32>
      tpu.vector_store %arg9[%swap3A_83, %swap3A_84], %swap3A_87 {strides = array<i32>} : memref<78x128xf32, #tpu.memory_space<vmem>>, vector<1x16xf32>,
      %broadcast_in_dim3A_88 = arith.constant 0.000000e+00 : f32
      %broadcast_in_dim3A_89 = vector.broadcast %broadcast_in_dim3A_88 : f32 to vector<16xf32>
      %swap3A_90 = arith.index_cast %scan3A_40 : i32 to index
      %swap3A_91 = arith.constant 112 : index
      %swap3A_92 = tpu.vector_load %arg9[%swap3A_90, %swap3A_91] {strides = array<i32>} : memref<78x128xf32, #tpu.memory_space<vmem>>, vector<1x16xf32>,
      %swap3A_93 = vector.shape_cast %swap3A_92 : vector<1x16xf32> to vector<16xf32>
      %swap3A_94 = vector.shape_cast %broadcast_in_dim3A_89 : vector<16xf32> to vector<1x16xf32>
      tpu.vector_store %arg9[%swap3A_90, %swap3A_91], %swap3A_94 {strides = array<i32>} : memref<78x128xf32, #tpu.memory_space<vmem>>, vector<1x16xf32>,
    }
    %scan3A_5 = arith.constant 78 : i32
    %mul3A_6 = arith.constant 624 : i32
    %mul3A_7 = arith.muli %arg1, %mul3A_6 : i32
    %add3A_8 = arith.constant 0 : i32
    %add3A_9 = arith.addi %mul3A_7, %add3A_8 : i32
    "tpu.region"() ({
      %run_scoped3A = tpu.sem_alloc : memref<!tpu.dma_semaphore, #tpu.memory_space<semaphore_mem>>
      %dma_start3A = arith.constant 0 : i32
      %dma_start3A_40 = tpu.memref_slice %arg10[%add3A_9, %dma_start3A] : memref<10000x128xf32, #tpu.memory_space<vmem_shared>> -> memref<78x128xf32, #tpu.memory_space<vmem_shared>>
      %dma_start3A_41 = arith.constant 0 : i32
      %dma_start3A_42 = tpu.memref_slice %arg10[%add3A_9, %dma_start3A_41] : memref<10000x128xf32, #tpu.memory_space<vmem_shared>> -> memref<78x128xf32, #tpu.memory_space<vmem_shared>>
      tpu.enqueue_dma source(%arg9 : memref<78x128xf32, #tpu.memory_space<vmem>>) target(%dma_start3A_42 : memref<78x128xf32, #tpu.memory_space<vmem_shared>>) target_semaphore(%run_scoped3A : memref<!tpu.dma_semaphore, #tpu.memory_space<semaphore_mem>>)
      %dma_wait3A = arith.constant 0 : i32
      %dma_wait3A_43 = tpu.memref_slice %arg10[%add3A_9, %dma_wait3A] : memref<10000x128xf32, #tpu.memory_space<vmem_shared>> -> memref<78x128xf32, #tpu.memory_space<vmem_shared>>
      %dma_wait3A_44 = arith.constant 0 : i32
      %dma_wait3A_45 = tpu.memref_slice %arg10[%add3A_9, %dma_wait3A_44] : memref<10000x128xf32, #tpu.memory_space<vmem_shared>> -> memref<78x128xf32, #tpu.memory_space<vmem_shared>>
      tpu.wait_dma2 semaphore(%run_scoped3A : memref<!tpu.dma_semaphore, #tpu.memory_space<semaphore_mem>>) src(%arg9 : memref<78x128xf32, #tpu.memory_space<vmem>>) dst(%dma_wait3A_45 : memref<78x128xf32, #tpu.memory_space<vmem_shared>>)
      tpu.yield
    }) : () -> ()
    %add3A_10 = arith.constant 78 : i32
    %add3A_11 = arith.addi %mul3A_7, %add3A_10 : i32
    "tpu.region"() ({
      %run_scoped3A = tpu.sem_alloc : memref<!tpu.dma_semaphore, #tpu.memory_space<semaphore_mem>>
      %dma_start3A = arith.constant 0 : i32
      %dma_start3A_40 = tpu.memref_slice %arg10[%add3A_11, %dma_start3A] : memref<10000x128xf32, #tpu.memory_space<vmem_shared>> -> memref<78x128xf32, #tpu.memory_space<vmem_shared>>
      %dma_start3A_41 = arith.constant 0 : i32
      %dma_start3A_42 = tpu.memref_slice %arg10[%add3A_11, %dma_start3A_41] : memref<10000x128xf32, #tpu.memory_space<vmem_shared>> -> memref<78x128xf32, #tpu.memory_space<vmem_shared>>
      tpu.enqueue_dma source(%arg9 : memref<78x128xf32, #tpu.memory_space<vmem>>) target(%dma_start3A_42 : memref<78x128xf32, #tpu.memory_space<vmem_shared>>) target_semaphore(%run_scoped3A : memref<!tpu.dma_semaphore, #tpu.memory_space<semaphore_mem>>)
      %dma_wait3A = arith.constant 0 : i32
      %dma_wait3A_43 = tpu.memref_slice %arg10[%add3A_11, %dma_wait3A] : memref<10000x128xf32, #tpu.memory_space<vmem_shared>> -> memref<78x128xf32, #tpu.memory_space<vmem_shared>>
      %dma_wait3A_44 = arith.constant 0 : i32
      %dma_wait3A_45 = tpu.memref_slice %arg10[%add3A_11, %dma_wait3A_44] : memref<10000x128xf32, #tpu.memory_space<vmem_shared>> -> memref<78x128xf32, #tpu.memory_space<vmem_shared>>
      tpu.wait_dma2 semaphore(%run_scoped3A : memref<!tpu.dma_semaphore, #tpu.memory_space<semaphore_mem>>) src(%arg9 : memref<78x128xf32, #tpu.memory_space<vmem>>) dst(%dma_wait3A_45 : memref<78x128xf32, #tpu.memory_space<vmem_shared>>)
      tpu.yield
    }) : () -> ()
    %add3A_12 = arith.constant 156 : i32
    %add3A_13 = arith.addi %mul3A_7, %add3A_12 : i32
    "tpu.region"() ({
      %run_scoped3A = tpu.sem_alloc : memref<!tpu.dma_semaphore, #tpu.memory_space<semaphore_mem>>
      %dma_start3A = arith.constant 0 : i32
      %dma_start3A_40 = tpu.memref_slice %arg10[%add3A_13, %dma_start3A] : memref<10000x128xf32, #tpu.memory_space<vmem_shared>> -> memref<78x128xf32, #tpu.memory_space<vmem_shared>>
      %dma_start3A_41 = arith.constant 0 : i32
      %dma_start3A_42 = tpu.memref_slice %arg10[%add3A_13, %dma_start3A_41] : memref<10000x128xf32, #tpu.memory_space<vmem_shared>> -> memref<78x128xf32, #tpu.memory_space<vmem_shared>>
      tpu.enqueue_dma source(%arg9 : memref<78x128xf32, #tpu.memory_space<vmem>>) target(%dma_start3A_42 : memref<78x128xf32, #tpu.memory_space<vmem_shared>>) target_semaphore(%run_scoped3A : memref<!tpu.dma_semaphore, #tpu.memory_space<semaphore_mem>>)
      %dma_wait3A = arith.constant 0 : i32
      %dma_wait3A_43 = tpu.memref_slice %arg10[%add3A_13, %dma_wait3A] : memref<10000x128xf32, #tpu.memory_space<vmem_shared>> -> memref<78x128xf32, #tpu.memory_space<vmem_shared>>
      %dma_wait3A_44 = arith.constant 0 : i32
      %dma_wait3A_45 = tpu.memref_slice %arg10[%add3A_13, %dma_wait3A_44] : memref<10000x128xf32, #tpu.memory_space<vmem_shared>> -> memref<78x128xf32, #tpu.memory_space<vmem_shared>>
      tpu.wait_dma2 semaphore(%run_scoped3A : memref<!tpu.dma_semaphore, #tpu.memory_space<semaphore_mem>>) src(%arg9 : memref<78x128xf32, #tpu.memory_space<vmem>>) dst(%dma_wait3A_45 : memref<78x128xf32, #tpu.memory_space<vmem_shared>>)
      tpu.yield
    }) : () -> ()
    %add3A_14 = arith.constant 234 : i32
    %add3A_15 = arith.addi %mul3A_7, %add3A_14 : i32
    "tpu.region"() ({
      %run_scoped3A = tpu.sem_alloc : memref<!tpu.dma_semaphore, #tpu.memory_space<semaphore_mem>>
      %dma_start3A = arith.constant 0 : i32
      %dma_start3A_40 = tpu.memref_slice %arg10[%add3A_15, %dma_start3A] : memref<10000x128xf32, #tpu.memory_space<vmem_shared>> -> memref<78x128xf32, #tpu.memory_space<vmem_shared>>
      %dma_start3A_41 = arith.constant 0 : i32
      %dma_start3A_42 = tpu.memref_slice %arg10[%add3A_15, %dma_start3A_41] : memref<10000x128xf32, #tpu.memory_space<vmem_shared>> -> memref<78x128xf32, #tpu.memory_space<vmem_shared>>
      tpu.enqueue_dma source(%arg9 : memref<78x128xf32, #tpu.memory_space<vmem>>) target(%dma_start3A_42 : memref<78x128xf32, #tpu.memory_space<vmem_shared>>) target_semaphore(%run_scoped3A : memref<!tpu.dma_semaphore, #tpu.memory_space<semaphore_mem>>)
      %dma_wait3A = arith.constant 0 : i32
      %dma_wait3A_43 = tpu.memref_slice %arg10[%add3A_15, %dma_wait3A] : memref<10000x128xf32, #tpu.memory_space<vmem_shared>> -> memref<78x128xf32, #tpu.memory_space<vmem_shared>>
      %dma_wait3A_44 = arith.constant 0 : i32
      %dma_wait3A_45 = tpu.memref_slice %arg10[%add3A_15, %dma_wait3A_44] : memref<10000x128xf32, #tpu.memory_space<vmem_shared>> -> memref<78x128xf32, #tpu.memory_space<vmem_shared>>
      tpu.wait_dma2 semaphore(%run_scoped3A : memref<!tpu.dma_semaphore, #tpu.memory_space<semaphore_mem>>) src(%arg9 : memref<78x128xf32, #tpu.memory_space<vmem>>) dst(%dma_wait3A_45 : memref<78x128xf32, #tpu.memory_space<vmem_shared>>)
      tpu.yield
    }) : () -> ()
    %add3A_16 = arith.constant 312 : i32
    %add3A_17 = arith.addi %mul3A_7, %add3A_16 : i32
    "tpu.region"() ({
      %run_scoped3A = tpu.sem_alloc : memref<!tpu.dma_semaphore, #tpu.memory_space<semaphore_mem>>
      %dma_start3A = arith.constant 0 : i32
      %dma_start3A_40 = tpu.memref_slice %arg10[%add3A_17, %dma_start3A] : memref<10000x128xf32, #tpu.memory_space<vmem_shared>> -> memref<78x128xf32, #tpu.memory_space<vmem_shared>>
      %dma_start3A_41 = arith.constant 0 : i32
      %dma_start3A_42 = tpu.memref_slice %arg10[%add3A_17, %dma_start3A_41] : memref<10000x128xf32, #tpu.memory_space<vmem_shared>> -> memref<78x128xf32, #tpu.memory_space<vmem_shared>>
      tpu.enqueue_dma source(%arg9 : memref<78x128xf32, #tpu.memory_space<vmem>>) target(%dma_start3A_42 : memref<78x128xf32, #tpu.memory_space<vmem_shared>>) target_semaphore(%run_scoped3A : memref<!tpu.dma_semaphore, #tpu.memory_space<semaphore_mem>>)
      %dma_wait3A = arith.constant 0 : i32
      %dma_wait3A_43 = tpu.memref_slice %arg10[%add3A_17, %dma_wait3A] : memref<10000x128xf32, #tpu.memory_space<vmem_shared>> -> memref<78x128xf32, #tpu.memory_space<vmem_shared>>
      %dma_wait3A_44 = arith.constant 0 : i32
      %dma_wait3A_45 = tpu.memref_slice %arg10[%add3A_17, %dma_wait3A_44] : memref<10000x128xf32, #tpu.memory_space<vmem_shared>> -> memref<78x128xf32, #tpu.memory_space<vmem_shared>>
      tpu.wait_dma2 semaphore(%run_scoped3A : memref<!tpu.dma_semaphore, #tpu.memory_space<semaphore_mem>>) src(%arg9 : memref<78x128xf32, #tpu.memory_space<vmem>>) dst(%dma_wait3A_45 : memref<78x128xf32, #tpu.memory_space<vmem_shared>>)
      tpu.yield
    }) : () -> ()
    %add3A_18 = arith.constant 390 : i32
    %add3A_19 = arith.addi %mul3A_7, %add3A_18 : i32
    "tpu.region"() ({
      %run_scoped3A = tpu.sem_alloc : memref<!tpu.dma_semaphore, #tpu.memory_space<semaphore_mem>>
      %dma_start3A = arith.constant 0 : i32
      %dma_start3A_40 = tpu.memref_slice %arg10[%add3A_19, %dma_start3A] : memref<10000x128xf32, #tpu.memory_space<vmem_shared>> -> memref<78x128xf32, #tpu.memory_space<vmem_shared>>
      %dma_start3A_41 = arith.constant 0 : i32
      %dma_start3A_42 = tpu.memref_slice %arg10[%add3A_19, %dma_start3A_41] : memref<10000x128xf32, #tpu.memory_space<vmem_shared>> -> memref<78x128xf32, #tpu.memory_space<vmem_shared>>
      tpu.enqueue_dma source(%arg9 : memref<78x128xf32, #tpu.memory_space<vmem>>) target(%dma_start3A_42 : memref<78x128xf32, #tpu.memory_space<vmem_shared>>) target_semaphore(%run_scoped3A : memref<!tpu.dma_semaphore, #tpu.memory_space<semaphore_mem>>)
      %dma_wait3A = arith.constant 0 : i32
      %dma_wait3A_43 = tpu.memref_slice %arg10[%add3A_19, %dma_wait3A] : memref<10000x128xf32, #tpu.memory_space<vmem_shared>> -> memref<78x128xf32, #tpu.memory_space<vmem_shared>>
      %dma_wait3A_44 = arith.constant 0 : i32
      %dma_wait3A_45 = tpu.memref_slice %arg10[%add3A_19, %dma_wait3A_44] : memref<10000x128xf32, #tpu.memory_space<vmem_shared>> -> memref<78x128xf32, #tpu.memory_space<vmem_shared>>
      tpu.wait_dma2 semaphore(%run_scoped3A : memref<!tpu.dma_semaphore, #tpu.memory_space<semaphore_mem>>) src(%arg9 : memref<78x128xf32, #tpu.memory_space<vmem>>) dst(%dma_wait3A_45 : memref<78x128xf32, #tpu.memory_space<vmem_shared>>)
      tpu.yield
    }) : () -> ()
    %add3A_20 = arith.constant 468 : i32
    %add3A_21 = arith.addi %mul3A_7, %add3A_20 : i32
    "tpu.region"() ({
      %run_scoped3A = tpu.sem_alloc : memref<!tpu.dma_semaphore, #tpu.memory_space<semaphore_mem>>
      %dma_start3A = arith.constant 0 : i32
      %dma_start3A_40 = tpu.memref_slice %arg10[%add3A_21, %dma_start3A] : memref<10000x128xf32, #tpu.memory_space<vmem_shared>> -> memref<78x128xf32, #tpu.memory_space<vmem_shared>>
      %dma_start3A_41 = arith.constant 0 : i32
      %dma_start3A_42 = tpu.memref_slice %arg10[%add3A_21, %dma_start3A_41] : memref<10000x128xf32, #tpu.memory_space<vmem_shared>> -> memref<78x128xf32, #tpu.memory_space<vmem_shared>>
      tpu.enqueue_dma source(%arg9 : memref<78x128xf32, #tpu.memory_space<vmem>>) target(%dma_start3A_42 : memref<78x128xf32, #tpu.memory_space<vmem_shared>>) target_semaphore(%run_scoped3A : memref<!tpu.dma_semaphore, #tpu.memory_space<semaphore_mem>>)
      %dma_wait3A = arith.constant 0 : i32
      %dma_wait3A_43 = tpu.memref_slice %arg10[%add3A_21, %dma_wait3A] : memref<10000x128xf32, #tpu.memory_space<vmem_shared>> -> memref<78x128xf32, #tpu.memory_space<vmem_shared>>
      %dma_wait3A_44 = arith.constant 0 : i32
      %dma_wait3A_45 = tpu.memref_slice %arg10[%add3A_21, %dma_wait3A_44] : memref<10000x128xf32, #tpu.memory_space<vmem_shared>> -> memref<78x128xf32, #tpu.memory_space<vmem_shared>>
      tpu.wait_dma2 semaphore(%run_scoped3A : memref<!tpu.dma_semaphore, #tpu.memory_space<semaphore_mem>>) src(%arg9 : memref<78x128xf32, #tpu.memory_space<vmem>>) dst(%dma_wait3A_45 : memref<78x128xf32, #tpu.memory_space<vmem_shared>>)
      tpu.yield
    }) : () -> ()
    %add3A_22 = arith.constant 546 : i32
    %add3A_23 = arith.addi %mul3A_7, %add3A_22 : i32
    "tpu.region"() ({
      %run_scoped3A = tpu.sem_alloc : memref<!tpu.dma_semaphore, #tpu.memory_space<semaphore_mem>>
      %dma_start3A = arith.constant 0 : i32
      %dma_start3A_40 = tpu.memref_slice %arg10[%add3A_23, %dma_start3A] : memref<10000x128xf32, #tpu.memory_space<vmem_shared>> -> memref<78x128xf32, #tpu.memory_space<vmem_shared>>
      %dma_start3A_41 = arith.constant 0 : i32
      %dma_start3A_42 = tpu.memref_slice %arg10[%add3A_23, %dma_start3A_41] : memref<10000x128xf32, #tpu.memory_space<vmem_shared>> -> memref<78x128xf32, #tpu.memory_space<vmem_shared>>
      tpu.enqueue_dma source(%arg9 : memref<78x128xf32, #tpu.memory_space<vmem>>) target(%dma_start3A_42 : memref<78x128xf32, #tpu.memory_space<vmem_shared>>) target_semaphore(%run_scoped3A : memref<!tpu.dma_semaphore, #tpu.memory_space<semaphore_mem>>)
      %dma_wait3A = arith.constant 0 : i32
      %dma_wait3A_43 = tpu.memref_slice %arg10[%add3A_23, %dma_wait3A] : memref<10000x128xf32, #tpu.memory_space<vmem_shared>> -> memref<78x128xf32, #tpu.memory_space<vmem_shared>>
      %dma_wait3A_44 = arith.constant 0 : i32
      %dma_wait3A_45 = tpu.memref_slice %arg10[%add3A_23, %dma_wait3A_44] : memref<10000x128xf32, #tpu.memory_space<vmem_shared>> -> memref<78x128xf32, #tpu.memory_space<vmem_shared>>
      tpu.wait_dma2 semaphore(%run_scoped3A : memref<!tpu.dma_semaphore, #tpu.memory_space<semaphore_mem>>) src(%arg9 : memref<78x128xf32, #tpu.memory_space<vmem>>) dst(%dma_wait3A_45 : memref<78x128xf32, #tpu.memory_space<vmem_shared>>)
      tpu.yield
    }) : () -> ()
    %eq3A = arith.constant 15 : i32
    %eq3A_24 = arith.cmpi eq, %arg1, %eq3A : i32
    %convert_element_type3A = arith.extui %eq3A_24 : i1 to i32
    %cond3A = arith.constant 0 : i32
    %cond3A_25 = arith.cmpi ne, %convert_element_type3A, %cond3A : i32
    scf.if %cond3A_25 {
      "tpu.region"() ({
        %run_scoped3A = tpu.sem_alloc : memref<!tpu.dma_semaphore, #tpu.memory_space<semaphore_mem>>
        %dma_start3A = arith.constant 0 : i32
        %dma_start3A_40 = arith.constant 0 : i32
        %dma_start3A_41 = tpu.memref_slice %arg9[%dma_start3A, %dma_start3A_40] : memref<78x128xf32, #tpu.memory_space<vmem>> -> memref<16x128xf32, #tpu.memory_space<vmem>>
        %dma_start3A_42 = arith.constant 9984 : i32
        %dma_start3A_43 = arith.constant 0 : i32
        %dma_start3A_44 = tpu.memref_slice %arg10[%dma_start3A_42, %dma_start3A_43] : memref<10000x128xf32, #tpu.memory_space<vmem_shared>> -> memref<16x128xf32, #tpu.memory_space<vmem_shared>>
        %dma_start3A_45 = arith.constant 9984 : i32
        %dma_start3A_46 = arith.constant 0 : i32
        %dma_start3A_47 = tpu.memref_slice %arg10[%dma_start3A_45, %dma_start3A_46] : memref<10000x128xf32, #tpu.memory_space<vmem_shared>> -> memref<16x128xf32, #tpu.memory_space<vmem_shared>>
        %dma_start3A_48 = arith.constant 0 : i32
        %dma_start3A_49 = arith.constant 0 : i32
        %dma_start3A_50 = tpu.memref_slice %arg9[%dma_start3A_48, %dma_start3A_49] : memref<78x128xf32, #tpu.memory_space<vmem>> -> memref<16x128xf32, #tpu.memory_space<vmem>>
        tpu.enqueue_dma source(%dma_start3A_50 : memref<16x128xf32, #tpu.memory_space<vmem>>) target(%dma_start3A_47 : memref<16x128xf32, #tpu.memory_space<vmem_shared>>) target_semaphore(%run_scoped3A : memref<!tpu.dma_semaphore, #tpu.memory_space<semaphore_mem>>)
        %dma_wait3A = arith.constant 0 : i32
        %dma_wait3A_51 = arith.constant 0 : i32
        %dma_wait3A_52 = tpu.memref_slice %arg9[%dma_wait3A, %dma_wait3A_51] : memref<78x128xf32, #tpu.memory_space<vmem>> -> memref<16x128xf32, #tpu.memory_space<vmem>>
        %dma_wait3A_53 = arith.constant 9984 : i32
        %dma_wait3A_54 = arith.constant 0 : i32
        %dma_wait3A_55 = tpu.memref_slice %arg10[%dma_wait3A_53, %dma_wait3A_54] : memref<10000x128xf32, #tpu.memory_space<vmem_shared>> -> memref<16x128xf32, #tpu.memory_space<vmem_shared>>
        %dma_wait3A_56 = arith.constant 9984 : i32
        %dma_wait3A_57 = arith.constant 0 : i32
        %dma_wait3A_58 = tpu.memref_slice %arg10[%dma_wait3A_56, %dma_wait3A_57] : memref<10000x128xf32, #tpu.memory_space<vmem_shared>> -> memref<16x128xf32, #tpu.memory_space<vmem_shared>>
        %dma_wait3A_59 = arith.constant 0 : i32
        %dma_wait3A_60 = arith.constant 0 : i32
        %dma_wait3A_61 = tpu.memref_slice %arg9[%dma_wait3A_59, %dma_wait3A_60] : memref<78x128xf32, #tpu.memory_space<vmem>> -> memref<16x128xf32, #tpu.memory_space<vmem>>
        tpu.wait_dma2 semaphore(%run_scoped3A : memref<!tpu.dma_semaphore, #tpu.memory_space<semaphore_mem>>) src(%dma_wait3A_61 : memref<16x128xf32, #tpu.memory_space<vmem>>) dst(%dma_wait3A_58 : memref<16x128xf32, #tpu.memory_space<vmem_shared>>)
        tpu.yield
      }) : () -> ()
    } else {
    }
    %barrier3A = arith.constant 0 : index
    tpu.barrier barrier_id(%barrier3A)
    %mul3A_26 = arith.constant 10000 : i32
    %mul3A_27 = arith.muli %add3A, %mul3A_26 : i32
    %scan3A_28 = arith.constant 0 : i32
    %scan3A_29 = arith.constant 0 : i32
    %scan3A_30 = arith.constant 125 : i32
    %scan3A_31 = arith.addi %scan3A_29, %scan3A_30 : i32
    %scan3A_32 = arith.constant 1 : i32
    scf.for %scan3A_40 = %scan3A_29 to %scan3A_31 step %scan3A_32  : i32 {
      %mul3A_41 = arith.constant 80 : i32
      %mul3A_42 = arith.muli %scan3A_40, %mul3A_41 : i32
      %add3A_43 = arith.addi %mul3A_27, %mul3A_42 : i32
      "tpu.region"() ({
        %run_scoped3A = tpu.sem_alloc : memref<!tpu.dma_semaphore, #tpu.memory_space<semaphore_mem>>
        %dma_start3A_48 = tpu.memref_slice %arg3[%add3A_43] : memref<320000xi32, #tpu.memory_space<hbm>> -> memref<80xi32, #tpu.memory_space<hbm>>
        %dma_start3A_49 = tpu.memref_slice %arg3[%add3A_43] : memref<320000xi32, #tpu.memory_space<hbm>> -> memref<80xi32, #tpu.memory_space<hbm>>
        tpu.enqueue_dma source(%dma_start3A_49 : memref<80xi32, #tpu.memory_space<hbm>>) target(%arg6 : memref<80xi32, #tpu.memory_space<vmem>>) target_semaphore(%run_scoped3A : memref<!tpu.dma_semaphore, #tpu.memory_space<semaphore_mem>>)
        %dma_wait3A_50 = tpu.memref_slice %arg3[%add3A_43] : memref<320000xi32, #tpu.memory_space<hbm>> -> memref<80xi32, #tpu.memory_space<hbm>>
        %dma_wait3A_51 = tpu.memref_slice %arg3[%add3A_43] : memref<320000xi32, #tpu.memory_space<hbm>> -> memref<80xi32, #tpu.memory_space<hbm>>
        tpu.wait_dma2 semaphore(%run_scoped3A : memref<!tpu.dma_semaphore, #tpu.memory_space<semaphore_mem>>) src(%dma_wait3A_51 : memref<80xi32, #tpu.memory_space<hbm>>) dst(%arg6 : memref<80xi32, #tpu.memory_space<vmem>>)
        tpu.yield
      }) : () -> ()
      "tpu.region"() ({
        %run_scoped3A = tpu.sem_alloc : memref<!tpu.dma_semaphore, #tpu.memory_space<semaphore_mem>>
        %dma_start3A_48 = tpu.memref_slice %arg4[%add3A_43] : memref<320000xi32, #tpu.memory_space<hbm>> -> memref<80xi32, #tpu.memory_space<hbm>>
        %dma_start3A_49 = tpu.memref_slice %arg4[%add3A_43] : memref<320000xi32, #tpu.memory_space<hbm>> -> memref<80xi32, #tpu.memory_space<hbm>>
        tpu.enqueue_dma source(%dma_start3A_49 : memref<80xi32, #tpu.memory_space<hbm>>) target(%arg7 : memref<80xi32, #tpu.memory_space<vmem>>) target_semaphore(%run_scoped3A : memref<!tpu.dma_semaphore, #tpu.memory_space<semaphore_mem>>)
        %dma_wait3A_50 = tpu.memref_slice %arg4[%add3A_43] : memref<320000xi32, #tpu.memory_space<hbm>> -> memref<80xi32, #tpu.memory_space<hbm>>
        %dma_wait3A_51 = tpu.memref_slice %arg4[%add3A_43] : memref<320000xi32, #tpu.memory_space<hbm>> -> memref<80xi32, #tpu.memory_space<hbm>>
        tpu.wait_dma2 semaphore(%run_scoped3A : memref<!tpu.dma_semaphore, #tpu.memory_space<semaphore_mem>>) src(%dma_wait3A_51 : memref<80xi32, #tpu.memory_space<hbm>>) dst(%arg7 : memref<80xi32, #tpu.memory_space<vmem>>)
        tpu.yield
      }) : () -> ()
      %dma_start3A = arith.constant 0 : i32
      %dma_start3A_44 = arith.constant 0 : i32
      %dma_start3A_45 = tpu.memref_slice %arg2[%dma_start3A, %dma_start3A_44] : memref<10000x128xf32, #tpu.memory_space<hbm>> -> memref<10000x128xf32, #tpu.memory_space<hbm>>
      tpu.enqueue_indirect_dma source(%dma_start3A_45 : memref<10000x128xf32, #tpu.memory_space<hbm>>) target(%arg8 : memref<80x128xf32, #tpu.memory_space<vmem>>) offsets(%arg6 : memref<80xi32, #tpu.memory_space<vmem>>) semaphore(%arg11 : memref<!tpu.dma_semaphore, #tpu.memory_space<semaphore_mem>>)
      %dma_wait3A = arith.constant 0 : i32
      %dma_wait3A_46 = arith.constant 0 : i32
      %dma_wait3A_47 = tpu.memref_slice %arg2[%dma_wait3A, %dma_wait3A_46] : memref<10000x128xf32, #tpu.memory_space<hbm>> -> memref<10000x128xf32, #tpu.memory_space<hbm>>
      tpu.wait_indirect_dma semaphore(%arg11 : memref<!tpu.dma_semaphore, #tpu.memory_space<semaphore_mem>>) src(%dma_wait3A_47 : memref<10000x128xf32, #tpu.memory_space<hbm>>) dst(%arg8 : memref<80x128xf32, #tpu.memory_space<vmem>>)
      "tpu.region"() ({
        %run_scoped3A = tpu.sem_alloc : memref<!tpu.dma_semaphore, #tpu.memory_space<semaphore_mem>>
        %dma_start3A_48 = arith.constant 0 : i32
        %dma_start3A_49 = arith.constant 0 : i32
        %dma_start3A_50 = tpu.memref_slice %arg10[%dma_start3A_48, %dma_start3A_49] : memref<10000x128xf32, #tpu.memory_space<vmem_shared>> -> memref<10000x128xf32, #tpu.memory_space<vmem_shared>>
        tpu.enqueue_indirect_dma source(%arg8 : memref<80x128xf32, #tpu.memory_space<vmem>>) target(%dma_start3A_50 : memref<10000x128xf32, #tpu.memory_space<vmem_shared>>) offsets(%arg7 : memref<80xi32, #tpu.memory_space<vmem>>) semaphore(%run_scoped3A : memref<!tpu.dma_semaphore, #tpu.memory_space<semaphore_mem>>) {add = true}
        %dma_wait3A_51 = arith.constant 0 : i32
        %dma_wait3A_52 = arith.constant 0 : i32
        %dma_wait3A_53 = tpu.memref_slice %arg10[%dma_wait3A_51, %dma_wait3A_52] : memref<10000x128xf32, #tpu.memory_space<vmem_shared>> -> memref<10000x128xf32, #tpu.memory_space<vmem_shared>>
        tpu.wait_indirect_dma semaphore(%run_scoped3A : memref<!tpu.dma_semaphore, #tpu.memory_space<semaphore_mem>>) src(%arg8 : memref<80x128xf32, #tpu.memory_space<vmem>>) dst(%dma_wait3A_53 : memref<10000x128xf32, #tpu.memory_space<vmem_shared>>)
        tpu.yield
      }) : () -> ()
    }
    %scan3A_33 = arith.constant 125 : i32
    %barrier3A_34 = arith.constant 0 : index
    tpu.barrier barrier_id(%barrier3A_34)
    "tpu.region"() ({
      %run_scoped3A = tpu.sem_alloc : memref<!tpu.dma_semaphore, #tpu.memory_space<semaphore_mem>>
      %dma_start3A = arith.constant 0 : i32
      %dma_start3A_40 = tpu.memref_slice %arg5[%arg0, %mul3A_7, %dma_start3A] : memref<2x10000x128xf32, #tpu.memory_space<hbm>> -> memref<1x624x128xf32, #tpu.memory_space<hbm>>
      %dma_start3A_41 = tpu.memref_squeeze %dma_start3A_40 : memref<1x624x128xf32, #tpu.memory_space<hbm>> -> memref<624x128xf32, #tpu.memory_space<hbm>>
      %dma_start3A_42 = arith.constant 0 : i32
      %dma_start3A_43 = tpu.memref_slice %arg10[%mul3A_7, %dma_start3A_42] : memref<10000x128xf32, #tpu.memory_space<vmem_shared>> -> memref<624x128xf32, #tpu.memory_space<vmem_shared>>
      tpu.enqueue_dma source(%dma_start3A_43 : memref<624x128xf32, #tpu.memory_space<vmem_shared>>) target(%dma_start3A_41 : memref<624x128xf32, #tpu.memory_space<hbm>>) target_semaphore(%run_scoped3A : memref<!tpu.dma_semaphore, #tpu.memory_space<semaphore_mem>>)
      %dma_wait3A = arith.constant 0 : i32
      %dma_wait3A_44 = tpu.memref_slice %arg5[%arg0, %mul3A_7, %dma_wait3A] : memref<2x10000x128xf32, #tpu.memory_space<hbm>> -> memref<1x624x128xf32, #tpu.memory_space<hbm>>
      %dma_wait3A_45 = tpu.memref_squeeze %dma_wait3A_44 : memref<1x624x128xf32, #tpu.memory_space<hbm>> -> memref<624x128xf32, #tpu.memory_space<hbm>>
      %dma_wait3A_46 = arith.constant 0 : i32
      %dma_wait3A_47 = tpu.memref_slice %arg10[%mul3A_7, %dma_wait3A_46] : memref<10000x128xf32, #tpu.memory_space<vmem_shared>> -> memref<624x128xf32, #tpu.memory_space<vmem_shared>>
      tpu.wait_dma2 semaphore(%run_scoped3A : memref<!tpu.dma_semaphore, #tpu.memory_space<semaphore_mem>>) src(%dma_wait3A_47 : memref<624x128xf32, #tpu.memory_space<vmem_shared>>) dst(%dma_wait3A_45 : memref<624x128xf32, #tpu.memory_space<hbm>>)
      tpu.yield
    }) : () -> ()
    %eq3A_35 = arith.constant 15 : i32
    %eq3A_36 = arith.cmpi eq, %arg1, %eq3A_35 : i32
    %convert_element_type3A_37 = arith.extui %eq3A_36 : i1 to i32
    %cond3A_38 = arith.constant 0 : i32
    %cond3A_39 = arith.cmpi ne, %convert_element_type3A_37, %cond3A_38 : i32
    scf.if %cond3A_39 {
      "tpu.region"() ({
        %run_scoped3A = tpu.sem_alloc : memref<!tpu.dma_semaphore, #tpu.memory_space<semaphore_mem>>
        %dma_start3A = arith.constant 9984 : i32
        %dma_start3A_40 = arith.constant 0 : i32
        %dma_start3A_41 = tpu.memref_slice %arg5[%arg0, %dma_start3A, %dma_start3A_40] : memref<2x10000x128xf32, #tpu.memory_space<hbm>> -> memref<1x16x128xf32, #tpu.memory_space<hbm>>
        %dma_start3A_42 = tpu.memref_squeeze %dma_start3A_41 : memref<1x16x128xf32, #tpu.memory_space<hbm>> -> memref<16x128xf32, #tpu.memory_space<hbm>>
        %dma_start3A_43 = arith.constant 9984 : i32
        %dma_start3A_44 = arith.constant 0 : i32
        %dma_start3A_45 = tpu.memref_slice %arg10[%dma_start3A_43, %dma_start3A_44] : memref<10000x128xf32, #tpu.memory_space<vmem_shared>> -> memref<16x128xf32, #tpu.memory_space<vmem_shared>>
        tpu.enqueue_dma source(%dma_start3A_45 : memref<16x128xf32, #tpu.memory_space<vmem_shared>>) target(%dma_start3A_42 : memref<16x128xf32, #tpu.memory_space<hbm>>) target_semaphore(%run_scoped3A : memref<!tpu.dma_semaphore, #tpu.memory_space<semaphore_mem>>)
        %dma_wait3A = arith.constant 9984 : i32
        %dma_wait3A_46 = arith.constant 0 : i32
        %dma_wait3A_47 = tpu.memref_slice %arg5[%arg0, %dma_wait3A, %dma_wait3A_46] : memref<2x10000x128xf32, #tpu.memory_space<hbm>> -> memref<1x16x128xf32, #tpu.memory_space<hbm>>
        %dma_wait3A_48 = tpu.memref_squeeze %dma_wait3A_47 : memref<1x16x128xf32, #tpu.memory_space<hbm>> -> memref<16x128xf32, #tpu.memory_space<hbm>>
        %dma_wait3A_49 = arith.constant 9984 : i32
        %dma_wait3A_50 = arith.constant 0 : i32
        %dma_wait3A_51 = tpu.memref_slice %arg10[%dma_wait3A_49, %dma_wait3A_50] : memref<10000x128xf32, #tpu.memory_space<vmem_shared>> -> memref<16x128xf32, #tpu.memory_space<vmem_shared>>
        tpu.wait_dma2 semaphore(%run_scoped3A : memref<!tpu.dma_semaphore, #tpu.memory_space<semaphore_mem>>) src(%dma_wait3A_51 : memref<16x128xf32, #tpu.memory_space<vmem_shared>>) dst(%dma_wait3A_48 : memref<16x128xf32, #tpu.memory_space<hbm>>)
        tpu.yield
      }) : () -> ()
    } else {
    }
    return
  }
}

module attributes {stable_mosaic.version = 14 : i64} {
  func.func @body(%arg0: i32, %arg1: memref<1000x128xf32, #tpu.memory_space<vmem>>, %arg2: memref<1000x128xf32, #tpu.memory_space<vmem>>, %arg3: memref<1000x128xf32, #tpu.memory_space<vmem>>, %arg4: memref<1x1x1000xi32, #tpu.memory_space<vmem>>, %arg5: memref<128x128xf32, #tpu.memory_space<vmem>>, %arg6: memref<1x128xf32, #tpu.memory_space<vmem>>, %arg7: memref<128x128xf32, #tpu.memory_space<vmem>>, %arg8: memref<1x128xf32, #tpu.memory_space<vmem>>, %arg9: memref<1x128xf32, #tpu.memory_space<vmem>>, %arg10: memref<1x128xf32, #tpu.memory_space<vmem>>, %arg11: memref<1000x128xf32, #tpu.memory_space<vmem>>, %arg12: memref<64x128xf32, #tpu.memory_space<vmem>>, %arg13: memref<64x128xf32, #tpu.memory_space<vmem>>) attributes {dimension_semantics = [#tpu.dimension_semantics<arbitrary>], iteration_bounds = array<i64: 10>, scalar_prefetch = 0 : i64, scratch_operands = 0 : i64, tpu.core_type = #tpu.core_type<tc>, window_params = [{transform_indices = @transform_0, window_bounds = array<i64: 1000, 128>}, {transform_indices = @transform_1, window_bounds = array<i64: 1000, 128>}, {transform_indices = @transform_2, window_bounds = array<i64: 1000, 128>}, {transform_indices = @transform_3, window_bounds = array<i64: 1, 1, 1000>}, {pipeline_mode = #tpu.pipeline_mode<synchronous>, transform_indices = @transform_4, window_bounds = array<i64: 128, 128>}, {pipeline_mode = #tpu.pipeline_mode<synchronous>, transform_indices = @transform_5, window_bounds = array<i64: 1, 128>}, {pipeline_mode = #tpu.pipeline_mode<synchronous>, transform_indices = @transform_6, window_bounds = array<i64: 128, 128>}, {pipeline_mode = #tpu.pipeline_mode<synchronous>, transform_indices = @transform_7, window_bounds = array<i64: 1, 128>}, {pipeline_mode = #tpu.pipeline_mode<synchronous>, transform_indices = @transform_8, window_bounds = array<i64: 1, 128>}, {pipeline_mode = #tpu.pipeline_mode<synchronous>, transform_indices = @transform_9, window_bounds = array<i64: 1, 128>}, {transform_indices = @transform_10, window_bounds = array<i64: 1000, 128>}, {pipeline_mode = #tpu.pipeline_mode<synchronous>, transform_indices = @transform_11, window_bounds = array<i64: 64, 128>}, {pipeline_mode = #tpu.pipeline_mode<synchronous>, transform_indices = @transform_12, window_bounds = array<i64: 64, 128>}]} {
    %get3A = arith.constant 0 : index
    %get3A_0 = arith.constant 0 : index
    %get3A_1 = vector.load %arg1[%get3A, %get3A_0] : memref<1000x128xf32, #tpu.memory_space<vmem>>, vector<1000x128xf32>
    %get3A_2 = arith.constant 0 : index
    %get3A_3 = arith.constant 0 : index
    %get3A_4 = vector.load %arg2[%get3A_2, %get3A_3] : memref<1000x128xf32, #tpu.memory_space<vmem>>, vector<1000x128xf32>
    %add3A = arith.addf %get3A_1, %get3A_4 : vector<1000x128xf32>
    %get3A_5 = arith.constant 0 : index
    %get3A_6 = arith.constant 0 : index
    %get3A_7 = vector.load %arg3[%get3A_5, %get3A_6] : memref<1000x128xf32, #tpu.memory_space<vmem>>, vector<1000x128xf32>
    %add3A_8 = arith.addf %add3A, %get3A_7 : vector<1000x128xf32>
    %get3A_9 = arith.constant 0 : index
    %get3A_10 = arith.constant 0 : index
    %get3A_11 = vector.load %arg5[%get3A_9, %get3A_10] : memref<128x128xf32, #tpu.memory_space<vmem>>, vector<128x128xf32>
    %dot_general3A = arith.constant dense<0.000000e+00> : vector<1000x128xf32>
    %dot_general3A_12 = tpu.matmul %add3A_8, %get3A_11, %dot_general3A {dimension_numbers = #tpu.dot_dimension_numbers<[1], [0], [0], [1], [0, 0, 1, 1], [], []>, transpose_lhs_hint = false} : vector<1000x128xf32>, vector<128x128xf32>, vector<1000x128xf32> -> vector<1000x128xf32>
    %get3A_13 = arith.constant 0 : index
    %get3A_14 = arith.constant 0 : index
    %get3A_15 = vector.load %arg6[%get3A_13, %get3A_14] : memref<1x128xf32, #tpu.memory_space<vmem>>, vector<1x128xf32>
    %add3A_16 = vector.broadcast %get3A_15 : vector<1x128xf32> to vector<1000x128xf32>
    %add3A_17 = arith.addf %dot_general3A_12, %add3A_16 : vector<1000x128xf32>
    %max3A = arith.constant 0.000000e+00 : f32
    %max3A_18 = vector.broadcast %max3A : f32 to vector<1000x128xf32>
    %max3A_19 = arith.maximumf %add3A_17, %max3A_18 : vector<1000x128xf32>
    %get3A_20 = arith.constant 0 : index
    %get3A_21 = arith.constant 0 : index
    %get3A_22 = vector.load %arg7[%get3A_20, %get3A_21] : memref<128x128xf32, #tpu.memory_space<vmem>>, vector<128x128xf32>
    %dot_general3A_23 = arith.constant dense<0.000000e+00> : vector<1000x128xf32>
    %dot_general3A_24 = tpu.matmul %max3A_19, %get3A_22, %dot_general3A_23 {dimension_numbers = #tpu.dot_dimension_numbers<[1], [0], [0], [1], [0, 0, 1, 1], [], []>, transpose_lhs_hint = false} : vector<1000x128xf32>, vector<128x128xf32>, vector<1000x128xf32> -> vector<1000x128xf32>
    %get3A_25 = arith.constant 0 : index
    %get3A_26 = arith.constant 0 : index
    %get3A_27 = vector.load %arg8[%get3A_25, %get3A_26] : memref<1x128xf32, #tpu.memory_space<vmem>>, vector<1x128xf32>
    %add3A_28 = vector.broadcast %get3A_27 : vector<1x128xf32> to vector<1000x128xf32>
    %add3A_29 = arith.addf %dot_general3A_24, %add3A_28 : vector<1000x128xf32>
    %max3A_30 = arith.constant 0.000000e+00 : f32
    %max3A_31 = vector.broadcast %max3A_30 : f32 to vector<1000x128xf32>
    %max3A_32 = arith.maximumf %add3A_29, %max3A_31 : vector<1000x128xf32>
    %get3A_33 = arith.constant 0 : index
    %get3A_34 = arith.constant 0 : index
    %get3A_35 = vector.load %arg9[%get3A_33, %get3A_34] : memref<1x128xf32, #tpu.memory_space<vmem>>, vector<1x128xf32>
    %mul3A = arith.constant 0.999994993 : f32
    %mul3A_36 = vector.broadcast %mul3A : f32 to vector<1x128xf32>
    %mul3A_37 = arith.mulf %get3A_35, %mul3A_36 : vector<1x128xf32>
    %mul3A_38 = vector.broadcast %mul3A_37 : vector<1x128xf32> to vector<1000x128xf32>
    %mul3A_39 = arith.mulf %max3A_32, %mul3A_38 : vector<1000x128xf32>
    %get3A_40 = arith.constant 0 : index
    %get3A_41 = arith.constant 0 : index
    %get3A_42 = vector.load %arg10[%get3A_40, %get3A_41] : memref<1x128xf32, #tpu.memory_space<vmem>>, vector<1x128xf32>
    %add3A_43 = vector.broadcast %get3A_42 : vector<1x128xf32> to vector<1000x128xf32>
    %add3A_44 = arith.addf %mul3A_39, %add3A_43 : vector<1000x128xf32>
    %swap3A = arith.constant 0 : index
    %swap3A_45 = arith.constant 0 : index
    %swap3A_46 = vector.load %arg11[%swap3A, %swap3A_45] : memref<1000x128xf32, #tpu.memory_space<vmem>>, vector<1000x128xf32>
    tpu.vector_store %arg11[%swap3A, %swap3A_45], %add3A_44 {strides = array<i32>} : memref<1000x128xf32, #tpu.memory_space<vmem>>, vector<1000x128xf32>,
    %iota3A = tpu.iota {dimensions = array<i32: 0>} : vector<64x1000xi32>
    %get3A_47 = arith.constant 0 : index
    %get3A_48 = arith.constant 0 : index
    %get3A_49 = arith.constant 0 : index
    %get3A_50 = vector.load %arg4[%get3A_47, %get3A_48, %get3A_49] : memref<1x1x1000xi32, #tpu.memory_space<vmem>>, vector<1x1x1000xi32>
    %get3A_51 = vector.shape_cast %get3A_50 : vector<1x1x1000xi32> to vector<1x1000xi32>
    %eq3A = vector.broadcast %get3A_51 : vector<1x1000xi32> to vector<64x1000xi32>
    %eq3A_52 = arith.cmpi eq, %eq3A, %iota3A : vector<64x1000xi32>
    %convert_element_type3A = arith.extui %eq3A_52 : vector<64x1000xi1> to vector<64x1000xi32>
    %convert_element_type3A_53 = arith.sitofp %convert_element_type3A : vector<64x1000xi32> to vector<64x1000xf32>
    %eq3A_54 = arith.constant 0 : i32
    %eq3A_55 = arith.cmpi eq, %arg0, %eq3A_54 : i32
    %convert_element_type3A_56 = arith.extui %eq3A_55 : i1 to i32
    %cond3A = arith.constant 0 : i32
    %cond3A_57 = arith.cmpi ne, %convert_element_type3A_56, %cond3A : i32
    scf.if %cond3A_57 {
      %broadcast_in_dim3A = arith.constant 0.000000e+00 : f32
      %broadcast_in_dim3A_76 = vector.broadcast %broadcast_in_dim3A : f32 to vector<64x128xf32>
      %swap3A_77 = arith.constant 0 : index
      %swap3A_78 = arith.constant 0 : index
      %swap3A_79 = vector.load %arg12[%swap3A_77, %swap3A_78] : memref<64x128xf32, #tpu.memory_space<vmem>>, vector<64x128xf32>
      tpu.vector_store %arg12[%swap3A_77, %swap3A_78], %broadcast_in_dim3A_76 {strides = array<i32>} : memref<64x128xf32, #tpu.memory_space<vmem>>, vector<64x128xf32>,
      %broadcast_in_dim3A_80 = arith.constant 0.000000e+00 : f32
      %broadcast_in_dim3A_81 = vector.broadcast %broadcast_in_dim3A_80 : f32 to vector<64x128xf32>
      %swap3A_82 = arith.constant 0 : index
      %swap3A_83 = arith.constant 0 : index
      %swap3A_84 = vector.load %arg13[%swap3A_82, %swap3A_83] : memref<64x128xf32, #tpu.memory_space<vmem>>, vector<64x128xf32>
      tpu.vector_store %arg13[%swap3A_82, %swap3A_83], %broadcast_in_dim3A_81 {strides = array<i32>} : memref<64x128xf32, #tpu.memory_space<vmem>>, vector<64x128xf32>,
    } else {
    }
    %get3A_58 = arith.constant 0 : index
    %get3A_59 = arith.constant 0 : index
    %get3A_60 = vector.load %arg12[%get3A_58, %get3A_59] : memref<64x128xf32, #tpu.memory_space<vmem>>, vector<64x128xf32>
    %dot_general3A_61 = arith.constant dense<0.000000e+00> : vector<64x128xf32>
    %dot_general3A_62 = tpu.matmul %convert_element_type3A_53, %get3A_1, %dot_general3A_61 {dimension_numbers = #tpu.dot_dimension_numbers<[1], [0], [0], [1], [0, 0, 1, 1], [], []>, transpose_lhs_hint = false} : vector<64x1000xf32>, vector<1000x128xf32>, vector<64x128xf32> -> vector<64x128xf32>
    %add3A_63 = arith.addf %get3A_60, %dot_general3A_62 : vector<64x128xf32>
    %swap3A_64 = arith.constant 0 : index
    %swap3A_65 = arith.constant 0 : index
    %swap3A_66 = vector.load %arg12[%swap3A_64, %swap3A_65] : memref<64x128xf32, #tpu.memory_space<vmem>>, vector<64x128xf32>
    tpu.vector_store %arg12[%swap3A_64, %swap3A_65], %add3A_63 {strides = array<i32>} : memref<64x128xf32, #tpu.memory_space<vmem>>, vector<64x128xf32>,
    %get3A_67 = arith.constant 0 : index
    %get3A_68 = arith.constant 0 : index
    %get3A_69 = vector.load %arg13[%get3A_67, %get3A_68] : memref<64x128xf32, #tpu.memory_space<vmem>>, vector<64x128xf32>
    %dot_general3A_70 = arith.constant dense<0.000000e+00> : vector<64x128xf32>
    %dot_general3A_71 = tpu.matmul %convert_element_type3A_53, %add3A_44, %dot_general3A_70 {dimension_numbers = #tpu.dot_dimension_numbers<[1], [0], [0], [1], [0, 0, 1, 1], [], []>, transpose_lhs_hint = false} : vector<64x1000xf32>, vector<1000x128xf32>, vector<64x128xf32> -> vector<64x128xf32>
    %add3A_72 = arith.addf %get3A_69, %dot_general3A_71 : vector<64x128xf32>
    %swap3A_73 = arith.constant 0 : index
    %swap3A_74 = arith.constant 0 : index
    %swap3A_75 = vector.load %arg13[%swap3A_73, %swap3A_74] : memref<64x128xf32, #tpu.memory_space<vmem>>, vector<64x128xf32>
    tpu.vector_store %arg13[%swap3A_73, %swap3A_74], %add3A_72 {strides = array<i32>} : memref<64x128xf32, #tpu.memory_space<vmem>>, vector<64x128xf32>,
    return
  }
  func.func @transform_0(%arg0: i32) -> (i32, i32) {
    %c0_i32 = arith.constant 0 : i32
    %c0_i32_0 = arith.constant 0 : i32
    return %arg0, %c0_i32 : i32, i32
  }
  func.func @transform_1(%arg0: i32) -> (i32, i32) {
    %c0_i32 = arith.constant 0 : i32
    %c0_i32_0 = arith.constant 0 : i32
    return %arg0, %c0_i32 : i32, i32
  }
  func.func @transform_2(%arg0: i32) -> (i32, i32) {
    %c0_i32 = arith.constant 0 : i32
    %c0_i32_0 = arith.constant 0 : i32
    return %arg0, %c0_i32 : i32, i32
  }
  func.func @transform_3(%arg0: i32) -> (i32, i32, i32) {
    %c0_i32 = arith.constant 0 : i32
    %c0_i32_0 = arith.constant 0 : i32
    %c0_i32_1 = arith.constant 0 : i32
    return %arg0, %c0_i32, %c0_i32_0 : i32, i32, i32
  }
  func.func @transform_4(%arg0: i32) -> (i32, i32) {
    %c0_i32 = arith.constant 0 : i32
    %c0_i32_0 = arith.constant 0 : i32
    %c0_i32_1 = arith.constant 0 : i32
    return %c0_i32, %c0_i32_0 : i32, i32
  }
  func.func @transform_5(%arg0: i32) -> (i32, i32) {
    %c0_i32 = arith.constant 0 : i32
    %c0_i32_0 = arith.constant 0 : i32
    %c0_i32_1 = arith.constant 0 : i32
    return %c0_i32, %c0_i32_0 : i32, i32
  }
  func.func @transform_6(%arg0: i32) -> (i32, i32) {
    %c0_i32 = arith.constant 0 : i32
    %c0_i32_0 = arith.constant 0 : i32
    %c0_i32_1 = arith.constant 0 : i32
    return %c0_i32, %c0_i32_0 : i32, i32
  }
  func.func @transform_7(%arg0: i32) -> (i32, i32) {
    %c0_i32 = arith.constant 0 : i32
    %c0_i32_0 = arith.constant 0 : i32
    %c0_i32_1 = arith.constant 0 : i32
    return %c0_i32, %c0_i32_0 : i32, i32
  }
  func.func @transform_8(%arg0: i32) -> (i32, i32) {
    %c0_i32 = arith.constant 0 : i32
    %c0_i32_0 = arith.constant 0 : i32
    %c0_i32_1 = arith.constant 0 : i32
    return %c0_i32, %c0_i32_0 : i32, i32
  }
  func.func @transform_9(%arg0: i32) -> (i32, i32) {
    %c0_i32 = arith.constant 0 : i32
    %c0_i32_0 = arith.constant 0 : i32
    %c0_i32_1 = arith.constant 0 : i32
    return %c0_i32, %c0_i32_0 : i32, i32
  }
  func.func @transform_10(%arg0: i32) -> (i32, i32) {
    %c0_i32 = arith.constant 0 : i32
    %c0_i32_0 = arith.constant 0 : i32
    return %arg0, %c0_i32 : i32, i32
  }
  func.func @transform_11(%arg0: i32) -> (i32, i32) {
    %c0_i32 = arith.constant 0 : i32
    %c0_i32_0 = arith.constant 0 : i32
    %c0_i32_1 = arith.constant 0 : i32
    return %c0_i32, %c0_i32_0 : i32, i32
  }
  func.func @transform_12(%arg0: i32) -> (i32, i32) {
    %c0_i32 = arith.constant 0 : i32
    %c0_i32_0 = arith.constant 0 : i32
    %c0_i32_1 = arith.constant 0 : i32
    return %c0_i32, %c0_i32_0 : i32, i32
  }
}

module attributes {stable_mosaic.version = 14 : i64} {
  func.func @body(%arg0: i32, %arg1: memref<1000x128xf32, #tpu.memory_space<vmem>>, %arg2: memref<1000x128xf32, #tpu.memory_space<vmem>>, %arg3: memref<1000x128xf32, #tpu.memory_space<vmem>>, %arg4: memref<1x1x1000xi32, #tpu.memory_space<vmem>>, %arg5: memref<128x128xf32, #tpu.memory_space<vmem>>, %arg6: memref<1x128xf32, #tpu.memory_space<vmem>>, %arg7: memref<128x128xf32, #tpu.memory_space<vmem>>, %arg8: memref<1x128xf32, #tpu.memory_space<vmem>>, %arg9: memref<1x128xf32, #tpu.memory_space<vmem>>, %arg10: memref<1x128xf32, #tpu.memory_space<vmem>>, %arg11: memref<1000x128xf32, #tpu.memory_space<vmem>>, %arg12: memref<64x128xf32, #tpu.memory_space<vmem>>, %arg13: memref<64x128xf32, #tpu.memory_space<vmem>>) attributes {dimension_semantics = [#tpu.dimension_semantics<arbitrary>], iteration_bounds = array<i64: 10>, scalar_prefetch = 0 : i64, scratch_operands = 0 : i64, tpu.core_type = #tpu.core_type<tc>, window_params = [{transform_indices = @transform_0, window_bounds = array<i64: 1000, 128>}, {transform_indices = @transform_1, window_bounds = array<i64: 1000, 128>}, {transform_indices = @transform_2, window_bounds = array<i64: 1000, 128>}, {transform_indices = @transform_3, window_bounds = array<i64: 1, 1, 1000>}, {pipeline_mode = #tpu.pipeline_mode<synchronous>, transform_indices = @transform_4, window_bounds = array<i64: 128, 128>}, {pipeline_mode = #tpu.pipeline_mode<synchronous>, transform_indices = @transform_5, window_bounds = array<i64: 1, 128>}, {pipeline_mode = #tpu.pipeline_mode<synchronous>, transform_indices = @transform_6, window_bounds = array<i64: 128, 128>}, {pipeline_mode = #tpu.pipeline_mode<synchronous>, transform_indices = @transform_7, window_bounds = array<i64: 1, 128>}, {pipeline_mode = #tpu.pipeline_mode<synchronous>, transform_indices = @transform_8, window_bounds = array<i64: 1, 128>}, {pipeline_mode = #tpu.pipeline_mode<synchronous>, transform_indices = @transform_9, window_bounds = array<i64: 1, 128>}, {transform_indices = @transform_10, window_bounds = array<i64: 1000, 128>}, {pipeline_mode = #tpu.pipeline_mode<synchronous>, transform_indices = @transform_11, window_bounds = array<i64: 64, 128>}, {pipeline_mode = #tpu.pipeline_mode<synchronous>, transform_indices = @transform_12, window_bounds = array<i64: 64, 128>}]} {
    %get3A = arith.constant 0 : index
    %get3A_0 = arith.constant 0 : index
    %get3A_1 = vector.load %arg1[%get3A, %get3A_0] : memref<1000x128xf32, #tpu.memory_space<vmem>>, vector<1000x128xf32>
    %get3A_2 = arith.constant 0 : index
    %get3A_3 = arith.constant 0 : index
    %get3A_4 = vector.load %arg2[%get3A_2, %get3A_3] : memref<1000x128xf32, #tpu.memory_space<vmem>>, vector<1000x128xf32>
    %add3A = arith.addf %get3A_1, %get3A_4 : vector<1000x128xf32>
    %get3A_5 = arith.constant 0 : index
    %get3A_6 = arith.constant 0 : index
    %get3A_7 = vector.load %arg3[%get3A_5, %get3A_6] : memref<1000x128xf32, #tpu.memory_space<vmem>>, vector<1000x128xf32>
    %add3A_8 = arith.addf %add3A, %get3A_7 : vector<1000x128xf32>
    %get3A_9 = arith.constant 0 : index
    %get3A_10 = arith.constant 0 : index
    %get3A_11 = vector.load %arg5[%get3A_9, %get3A_10] : memref<128x128xf32, #tpu.memory_space<vmem>>, vector<128x128xf32>
    %dot_general3A = arith.constant dense<0.000000e+00> : vector<1000x128xf32>
    %dot_general3A_12 = tpu.matmul %add3A_8, %get3A_11, %dot_general3A {dimension_numbers = #tpu.dot_dimension_numbers<[1], [0], [0], [1], [0, 0, 1, 1], [], []>, transpose_lhs_hint = false} : vector<1000x128xf32>, vector<128x128xf32>, vector<1000x128xf32> -> vector<1000x128xf32>
    %get3A_13 = arith.constant 0 : index
    %get3A_14 = arith.constant 0 : index
    %get3A_15 = vector.load %arg6[%get3A_13, %get3A_14] : memref<1x128xf32, #tpu.memory_space<vmem>>, vector<1x128xf32>
    %add3A_16 = vector.broadcast %get3A_15 : vector<1x128xf32> to vector<1000x128xf32>
    %add3A_17 = arith.addf %dot_general3A_12, %add3A_16 : vector<1000x128xf32>
    %max3A = arith.constant 0.000000e+00 : f32
    %max3A_18 = vector.broadcast %max3A : f32 to vector<1000x128xf32>
    %max3A_19 = arith.maximumf %add3A_17, %max3A_18 : vector<1000x128xf32>
    %get3A_20 = arith.constant 0 : index
    %get3A_21 = arith.constant 0 : index
    %get3A_22 = vector.load %arg7[%get3A_20, %get3A_21] : memref<128x128xf32, #tpu.memory_space<vmem>>, vector<128x128xf32>
    %dot_general3A_23 = arith.constant dense<0.000000e+00> : vector<1000x128xf32>
    %dot_general3A_24 = tpu.matmul %max3A_19, %get3A_22, %dot_general3A_23 {dimension_numbers = #tpu.dot_dimension_numbers<[1], [0], [0], [1], [0, 0, 1, 1], [], []>, transpose_lhs_hint = false} : vector<1000x128xf32>, vector<128x128xf32>, vector<1000x128xf32> -> vector<1000x128xf32>
    %get3A_25 = arith.constant 0 : index
    %get3A_26 = arith.constant 0 : index
    %get3A_27 = vector.load %arg8[%get3A_25, %get3A_26] : memref<1x128xf32, #tpu.memory_space<vmem>>, vector<1x128xf32>
    %add3A_28 = vector.broadcast %get3A_27 : vector<1x128xf32> to vector<1000x128xf32>
    %add3A_29 = arith.addf %dot_general3A_24, %add3A_28 : vector<1000x128xf32>
    %max3A_30 = arith.constant 0.000000e+00 : f32
    %max3A_31 = vector.broadcast %max3A_30 : f32 to vector<1000x128xf32>
    %max3A_32 = arith.maximumf %add3A_29, %max3A_31 : vector<1000x128xf32>
    %get3A_33 = arith.constant 0 : index
    %get3A_34 = arith.constant 0 : index
    %get3A_35 = vector.load %arg9[%get3A_33, %get3A_34] : memref<1x128xf32, #tpu.memory_space<vmem>>, vector<1x128xf32>
    %mul3A = arith.constant 0.999994993 : f32
    %mul3A_36 = vector.broadcast %mul3A : f32 to vector<1x128xf32>
    %mul3A_37 = arith.mulf %get3A_35, %mul3A_36 : vector<1x128xf32>
    %mul3A_38 = vector.broadcast %mul3A_37 : vector<1x128xf32> to vector<1000x128xf32>
    %mul3A_39 = arith.mulf %max3A_32, %mul3A_38 : vector<1000x128xf32>
    %get3A_40 = arith.constant 0 : index
    %get3A_41 = arith.constant 0 : index
    %get3A_42 = vector.load %arg10[%get3A_40, %get3A_41] : memref<1x128xf32, #tpu.memory_space<vmem>>, vector<1x128xf32>
    %add3A_43 = vector.broadcast %get3A_42 : vector<1x128xf32> to vector<1000x128xf32>
    %add3A_44 = arith.addf %mul3A_39, %add3A_43 : vector<1000x128xf32>
    %swap3A = arith.constant 0 : index
    %swap3A_45 = arith.constant 0 : index
    %swap3A_46 = vector.load %arg11[%swap3A, %swap3A_45] : memref<1000x128xf32, #tpu.memory_space<vmem>>, vector<1000x128xf32>
    tpu.vector_store %arg11[%swap3A, %swap3A_45], %add3A_44 {strides = array<i32>} : memref<1000x128xf32, #tpu.memory_space<vmem>>, vector<1000x128xf32>,
    %iota3A = tpu.iota {dimensions = array<i32: 0>} : vector<64x1000xi32>
    %get3A_47 = arith.constant 0 : index
    %get3A_48 = arith.constant 0 : index
    %get3A_49 = arith.constant 0 : index
    %get3A_50 = vector.load %arg4[%get3A_47, %get3A_48, %get3A_49] : memref<1x1x1000xi32, #tpu.memory_space<vmem>>, vector<1x1x1000xi32>
    %get3A_51 = vector.shape_cast %get3A_50 : vector<1x1x1000xi32> to vector<1x1000xi32>
    %eq3A = vector.broadcast %get3A_51 : vector<1x1000xi32> to vector<64x1000xi32>
    %eq3A_52 = arith.cmpi eq, %eq3A, %iota3A : vector<64x1000xi32>
    %convert_element_type3A = arith.extui %eq3A_52 : vector<64x1000xi1> to vector<64x1000xi32>
    %convert_element_type3A_53 = arith.sitofp %convert_element_type3A : vector<64x1000xi32> to vector<64x1000xf32>
    %eq3A_54 = arith.constant 0 : i32
    %eq3A_55 = arith.cmpi eq, %arg0, %eq3A_54 : i32
    %convert_element_type3A_56 = arith.extui %eq3A_55 : i1 to i32
    %cond3A = arith.constant 0 : i32
    %cond3A_57 = arith.cmpi ne, %convert_element_type3A_56, %cond3A : i32
    scf.if %cond3A_57 {
      %broadcast_in_dim3A = arith.constant 0.000000e+00 : f32
      %broadcast_in_dim3A_76 = vector.broadcast %broadcast_in_dim3A : f32 to vector<64x128xf32>
      %swap3A_77 = arith.constant 0 : index
      %swap3A_78 = arith.constant 0 : index
      %swap3A_79 = vector.load %arg12[%swap3A_77, %swap3A_78] : memref<64x128xf32, #tpu.memory_space<vmem>>, vector<64x128xf32>
      tpu.vector_store %arg12[%swap3A_77, %swap3A_78], %broadcast_in_dim3A_76 {strides = array<i32>} : memref<64x128xf32, #tpu.memory_space<vmem>>, vector<64x128xf32>,
      %broadcast_in_dim3A_80 = arith.constant 0.000000e+00 : f32
      %broadcast_in_dim3A_81 = vector.broadcast %broadcast_in_dim3A_80 : f32 to vector<64x128xf32>
      %swap3A_82 = arith.constant 0 : index
      %swap3A_83 = arith.constant 0 : index
      %swap3A_84 = vector.load %arg13[%swap3A_82, %swap3A_83] : memref<64x128xf32, #tpu.memory_space<vmem>>, vector<64x128xf32>
      tpu.vector_store %arg13[%swap3A_82, %swap3A_83], %broadcast_in_dim3A_81 {strides = array<i32>} : memref<64x128xf32, #tpu.memory_space<vmem>>, vector<64x128xf32>,
    } else {
    }
    %get3A_58 = arith.constant 0 : index
    %get3A_59 = arith.constant 0 : index
    %get3A_60 = vector.load %arg12[%get3A_58, %get3A_59] : memref<64x128xf32, #tpu.memory_space<vmem>>, vector<64x128xf32>
    %dot_general3A_61 = arith.constant dense<0.000000e+00> : vector<64x128xf32>
    %dot_general3A_62 = tpu.matmul %convert_element_type3A_53, %get3A_1, %dot_general3A_61 {dimension_numbers = #tpu.dot_dimension_numbers<[1], [0], [0], [1], [0, 0, 1, 1], [], []>, transpose_lhs_hint = false} : vector<64x1000xf32>, vector<1000x128xf32>, vector<64x128xf32> -> vector<64x128xf32>
    %add3A_63 = arith.addf %get3A_60, %dot_general3A_62 : vector<64x128xf32>
    %swap3A_64 = arith.constant 0 : index
    %swap3A_65 = arith.constant 0 : index
    %swap3A_66 = vector.load %arg12[%swap3A_64, %swap3A_65] : memref<64x128xf32, #tpu.memory_space<vmem>>, vector<64x128xf32>
    tpu.vector_store %arg12[%swap3A_64, %swap3A_65], %add3A_63 {strides = array<i32>} : memref<64x128xf32, #tpu.memory_space<vmem>>, vector<64x128xf32>,
    %get3A_67 = arith.constant 0 : index
    %get3A_68 = arith.constant 0 : index
    %get3A_69 = vector.load %arg13[%get3A_67, %get3A_68] : memref<64x128xf32, #tpu.memory_space<vmem>>, vector<64x128xf32>
    %dot_general3A_70 = arith.constant dense<0.000000e+00> : vector<64x128xf32>
    %dot_general3A_71 = tpu.matmul %convert_element_type3A_53, %add3A_44, %dot_general3A_70 {dimension_numbers = #tpu.dot_dimension_numbers<[1], [0], [0], [1], [0, 0, 1, 1], [], []>, transpose_lhs_hint = false} : vector<64x1000xf32>, vector<1000x128xf32>, vector<64x128xf32> -> vector<64x128xf32>
    %add3A_72 = arith.addf %get3A_69, %dot_general3A_71 : vector<64x128xf32>
    %swap3A_73 = arith.constant 0 : index
    %swap3A_74 = arith.constant 0 : index
    %swap3A_75 = vector.load %arg13[%swap3A_73, %swap3A_74] : memref<64x128xf32, #tpu.memory_space<vmem>>, vector<64x128xf32>
    tpu.vector_store %arg13[%swap3A_73, %swap3A_74], %add3A_72 {strides = array<i32>} : memref<64x128xf32, #tpu.memory_space<vmem>>, vector<64x128xf32>,
    return
  }
  func.func @transform_0(%arg0: i32) -> (i32, i32) {
    %c0_i32 = arith.constant 0 : i32
    %c0_i32_0 = arith.constant 0 : i32
    return %arg0, %c0_i32 : i32, i32
  }
  func.func @transform_1(%arg0: i32) -> (i32, i32) {
    %c0_i32 = arith.constant 0 : i32
    %c0_i32_0 = arith.constant 0 : i32
    return %arg0, %c0_i32 : i32, i32
  }
  func.func @transform_2(%arg0: i32) -> (i32, i32) {
    %c0_i32 = arith.constant 0 : i32
    %c0_i32_0 = arith.constant 0 : i32
    return %arg0, %c0_i32 : i32, i32
  }
  func.func @transform_3(%arg0: i32) -> (i32, i32, i32) {
    %c0_i32 = arith.constant 0 : i32
    %c0_i32_0 = arith.constant 0 : i32
    %c0_i32_1 = arith.constant 0 : i32
    return %arg0, %c0_i32, %c0_i32_0 : i32, i32, i32
  }
  func.func @transform_4(%arg0: i32) -> (i32, i32) {
    %c0_i32 = arith.constant 0 : i32
    %c0_i32_0 = arith.constant 0 : i32
    %c0_i32_1 = arith.constant 0 : i32
    return %c0_i32, %c0_i32_0 : i32, i32
  }
  func.func @transform_5(%arg0: i32) -> (i32, i32) {
    %c0_i32 = arith.constant 0 : i32
    %c0_i32_0 = arith.constant 0 : i32
    %c0_i32_1 = arith.constant 0 : i32
    return %c0_i32, %c0_i32_0 : i32, i32
  }
  func.func @transform_6(%arg0: i32) -> (i32, i32) {
    %c0_i32 = arith.constant 0 : i32
    %c0_i32_0 = arith.constant 0 : i32
    %c0_i32_1 = arith.constant 0 : i32
    return %c0_i32, %c0_i32_0 : i32, i32
  }
  func.func @transform_7(%arg0: i32) -> (i32, i32) {
    %c0_i32 = arith.constant 0 : i32
    %c0_i32_0 = arith.constant 0 : i32
    %c0_i32_1 = arith.constant 0 : i32
    return %c0_i32, %c0_i32_0 : i32, i32
  }
  func.func @transform_8(%arg0: i32) -> (i32, i32) {
    %c0_i32 = arith.constant 0 : i32
    %c0_i32_0 = arith.constant 0 : i32
    %c0_i32_1 = arith.constant 0 : i32
    return %c0_i32, %c0_i32_0 : i32, i32
  }
  func.func @transform_9(%arg0: i32) -> (i32, i32) {
    %c0_i32 = arith.constant 0 : i32
    %c0_i32_0 = arith.constant 0 : i32
    %c0_i32_1 = arith.constant 0 : i32
    return %c0_i32, %c0_i32_0 : i32, i32
  }
  func.func @transform_10(%arg0: i32) -> (i32, i32) {
    %c0_i32 = arith.constant 0 : i32
    %c0_i32_0 = arith.constant 0 : i32
    return %arg0, %c0_i32 : i32, i32
  }
  func.func @transform_11(%arg0: i32) -> (i32, i32) {
    %c0_i32 = arith.constant 0 : i32
    %c0_i32_0 = arith.constant 0 : i32
    %c0_i32_1 = arith.constant 0 : i32
    return %c0_i32, %c0_i32_0 : i32, i32
  }
  func.func @transform_12(%arg0: i32) -> (i32, i32) {
    %c0_i32 = arith.constant 0 : i32
    %c0_i32_0 = arith.constant 0 : i32
    %c0_i32_1 = arith.constant 0 : i32
    return %c0_i32, %c0_i32_0 : i32, i32
  }
}

module attributes {stable_mosaic.version = 14 : i64} {
  func.func @_head_body(%arg0: memref<64x128xf32, #tpu.memory_space<vmem>>, %arg1: memref<64x128xf32, #tpu.memory_space<vmem>>, %arg2: memref<64x128xf32, #tpu.memory_space<vmem>>, %arg3: memref<128x128xf32, #tpu.memory_space<vmem>>, %arg4: memref<1x128xf32, #tpu.memory_space<vmem>>, %arg5: memref<1x128xf32, #tpu.memory_space<vmem>>, %arg6: memref<1x128xf32, #tpu.memory_space<vmem>>, %arg7: memref<128x128xf32, #tpu.memory_space<vmem>>, %arg8: memref<1x128xf32, #tpu.memory_space<vmem>>, %arg9: memref<1x128xf32, #tpu.memory_space<vmem>>, %arg10: memref<1x128xf32, #tpu.memory_space<vmem>>, %arg11: memref<128x64xf32, #tpu.memory_space<vmem>>, %arg12: memref<1x64xf32, #tpu.memory_space<vmem>>, %arg13: memref<1x64xf32, #tpu.memory_space<vmem>>, %arg14: memref<1x64xf32, #tpu.memory_space<vmem>>, %arg15: memref<1x1xf32, #tpu.memory_space<vmem>>, %arg16: memref<64x10xf32, #tpu.memory_space<vmem>>, %arg17: memref<1x10xf32, #tpu.memory_space<vmem>>, %arg18: memref<64x10xf32, #tpu.memory_space<vmem>>) attributes {dimension_semantics = [], scalar_prefetch = 0 : i64, scratch_operands = 0 : i64, tpu.core_type = #tpu.core_type<tc>} {
    %get3A = arith.constant 0 : index
    %get3A_0 = arith.constant 0 : index
    %get3A_1 = vector.load %arg0[%get3A, %get3A_0] : memref<64x128xf32, #tpu.memory_space<vmem>>, vector<64x128xf32>
    %get3A_2 = arith.constant 0 : index
    %get3A_3 = arith.constant 0 : index
    %get3A_4 = vector.load %arg3[%get3A_2, %get3A_3] : memref<128x128xf32, #tpu.memory_space<vmem>>, vector<128x128xf32>
    %dot_general3A = arith.constant dense<0.000000e+00> : vector<64x128xf32>
    %dot_general3A_5 = tpu.matmul %get3A_1, %get3A_4, %dot_general3A {dimension_numbers = #tpu.dot_dimension_numbers<[1], [0], [0], [1], [0, 0, 1, 1], [], []>, transpose_lhs_hint = false} : vector<64x128xf32>, vector<128x128xf32>, vector<64x128xf32> -> vector<64x128xf32>
    %get3A_6 = arith.constant 0 : index
    %get3A_7 = arith.constant 0 : index
    %get3A_8 = vector.load %arg4[%get3A_6, %get3A_7] : memref<1x128xf32, #tpu.memory_space<vmem>>, vector<1x128xf32>
    %add3A = vector.broadcast %get3A_8 : vector<1x128xf32> to vector<64x128xf32>
    %add3A_9 = arith.addf %dot_general3A_5, %add3A : vector<64x128xf32>
    %max3A = arith.constant 0.000000e+00 : f32
    %max3A_10 = vector.broadcast %max3A : f32 to vector<64x128xf32>
    %max3A_11 = arith.maximumf %add3A_9, %max3A_10 : vector<64x128xf32>
    %get3A_12 = arith.constant 0 : index
    %get3A_13 = arith.constant 0 : index
    %get3A_14 = vector.load %arg5[%get3A_12, %get3A_13] : memref<1x128xf32, #tpu.memory_space<vmem>>, vector<1x128xf32>
    %mul3A = arith.constant 0.999994993 : f32
    %mul3A_15 = vector.broadcast %mul3A : f32 to vector<1x128xf32>
    %mul3A_16 = arith.mulf %get3A_14, %mul3A_15 : vector<1x128xf32>
    %mul3A_17 = vector.broadcast %mul3A_16 : vector<1x128xf32> to vector<64x128xf32>
    %mul3A_18 = arith.mulf %max3A_11, %mul3A_17 : vector<64x128xf32>
    %get3A_19 = arith.constant 0 : index
    %get3A_20 = arith.constant 0 : index
    %get3A_21 = vector.load %arg6[%get3A_19, %get3A_20] : memref<1x128xf32, #tpu.memory_space<vmem>>, vector<1x128xf32>
    %add3A_22 = vector.broadcast %get3A_21 : vector<1x128xf32> to vector<64x128xf32>
    %add3A_23 = arith.addf %mul3A_18, %add3A_22 : vector<64x128xf32>
    %get3A_24 = arith.constant 0 : index
    %get3A_25 = arith.constant 0 : index
    %get3A_26 = vector.load %arg1[%get3A_24, %get3A_25] : memref<64x128xf32, #tpu.memory_space<vmem>>, vector<64x128xf32>
    %add3A_27 = arith.addf %add3A_23, %get3A_26 : vector<64x128xf32>
    %get3A_28 = arith.constant 0 : index
    %get3A_29 = arith.constant 0 : index
    %get3A_30 = vector.load %arg7[%get3A_28, %get3A_29] : memref<128x128xf32, #tpu.memory_space<vmem>>, vector<128x128xf32>
    %dot_general3A_31 = arith.constant dense<0.000000e+00> : vector<64x128xf32>
    %dot_general3A_32 = tpu.matmul %add3A_27, %get3A_30, %dot_general3A_31 {dimension_numbers = #tpu.dot_dimension_numbers<[1], [0], [0], [1], [0, 0, 1, 1], [], []>, transpose_lhs_hint = false} : vector<64x128xf32>, vector<128x128xf32>, vector<64x128xf32> -> vector<64x128xf32>
    %get3A_33 = arith.constant 0 : index
    %get3A_34 = arith.constant 0 : index
    %get3A_35 = vector.load %arg8[%get3A_33, %get3A_34] : memref<1x128xf32, #tpu.memory_space<vmem>>, vector<1x128xf32>
    %add3A_36 = vector.broadcast %get3A_35 : vector<1x128xf32> to vector<64x128xf32>
    %add3A_37 = arith.addf %dot_general3A_32, %add3A_36 : vector<64x128xf32>
    %max3A_38 = arith.constant 0.000000e+00 : f32
    %max3A_39 = vector.broadcast %max3A_38 : f32 to vector<64x128xf32>
    %max3A_40 = arith.maximumf %add3A_37, %max3A_39 : vector<64x128xf32>
    %get3A_41 = arith.constant 0 : index
    %get3A_42 = arith.constant 0 : index
    %get3A_43 = vector.load %arg9[%get3A_41, %get3A_42] : memref<1x128xf32, #tpu.memory_space<vmem>>, vector<1x128xf32>
    %mul3A_44 = arith.constant 0.999994993 : f32
    %mul3A_45 = vector.broadcast %mul3A_44 : f32 to vector<1x128xf32>
    %mul3A_46 = arith.mulf %get3A_43, %mul3A_45 : vector<1x128xf32>
    %mul3A_47 = vector.broadcast %mul3A_46 : vector<1x128xf32> to vector<64x128xf32>
    %mul3A_48 = arith.mulf %max3A_40, %mul3A_47 : vector<64x128xf32>
    %get3A_49 = arith.constant 0 : index
    %get3A_50 = arith.constant 0 : index
    %get3A_51 = vector.load %arg10[%get3A_49, %get3A_50] : memref<1x128xf32, #tpu.memory_space<vmem>>, vector<1x128xf32>
    %add3A_52 = vector.broadcast %get3A_51 : vector<1x128xf32> to vector<64x128xf32>
    %add3A_53 = arith.addf %mul3A_48, %add3A_52 : vector<64x128xf32>
    %add3A_54 = arith.addf %add3A_23, %add3A_53 : vector<64x128xf32>
    %get3A_55 = arith.constant 0 : index
    %get3A_56 = arith.constant 0 : index
    %get3A_57 = vector.load %arg2[%get3A_55, %get3A_56] : memref<64x128xf32, #tpu.memory_space<vmem>>, vector<64x128xf32>
    %add3A_58 = arith.addf %add3A_54, %get3A_57 : vector<64x128xf32>
    %get3A_59 = arith.constant 0 : index
    %get3A_60 = arith.constant 0 : index
    %get3A_61 = vector.load %arg7[%get3A_59, %get3A_60] : memref<128x128xf32, #tpu.memory_space<vmem>>, vector<128x128xf32>
    %dot_general3A_62 = arith.constant dense<0.000000e+00> : vector<64x128xf32>
    %dot_general3A_63 = tpu.matmul %add3A_58, %get3A_61, %dot_general3A_62 {dimension_numbers = #tpu.dot_dimension_numbers<[1], [0], [0], [1], [0, 0, 1, 1], [], []>, transpose_lhs_hint = false} : vector<64x128xf32>, vector<128x128xf32>, vector<64x128xf32> -> vector<64x128xf32>
    %get3A_64 = arith.constant 0 : index
    %get3A_65 = arith.constant 0 : index
    %get3A_66 = vector.load %arg8[%get3A_64, %get3A_65] : memref<1x128xf32, #tpu.memory_space<vmem>>, vector<1x128xf32>
    %add3A_67 = vector.broadcast %get3A_66 : vector<1x128xf32> to vector<64x128xf32>
    %add3A_68 = arith.addf %dot_general3A_63, %add3A_67 : vector<64x128xf32>
    %max3A_69 = arith.constant 0.000000e+00 : f32
    %max3A_70 = vector.broadcast %max3A_69 : f32 to vector<64x128xf32>
    %max3A_71 = arith.maximumf %add3A_68, %max3A_70 : vector<64x128xf32>
    %get3A_72 = arith.constant 0 : index
    %get3A_73 = arith.constant 0 : index
    %get3A_74 = vector.load %arg9[%get3A_72, %get3A_73] : memref<1x128xf32, #tpu.memory_space<vmem>>, vector<1x128xf32>
    %mul3A_75 = arith.constant 0.999994993 : f32
    %mul3A_76 = vector.broadcast %mul3A_75 : f32 to vector<1x128xf32>
    %mul3A_77 = arith.mulf %get3A_74, %mul3A_76 : vector<1x128xf32>
    %mul3A_78 = vector.broadcast %mul3A_77 : vector<1x128xf32> to vector<64x128xf32>
    %mul3A_79 = arith.mulf %max3A_71, %mul3A_78 : vector<64x128xf32>
    %get3A_80 = arith.constant 0 : index
    %get3A_81 = arith.constant 0 : index
    %get3A_82 = vector.load %arg10[%get3A_80, %get3A_81] : memref<1x128xf32, #tpu.memory_space<vmem>>, vector<1x128xf32>
    %add3A_83 = vector.broadcast %get3A_82 : vector<1x128xf32> to vector<64x128xf32>
    %add3A_84 = arith.addf %mul3A_79, %add3A_83 : vector<64x128xf32>
    %get3A_85 = arith.constant 0 : index
    %get3A_86 = arith.constant 0 : index
    %get3A_87 = vector.load %arg11[%get3A_85, %get3A_86] : memref<128x64xf32, #tpu.memory_space<vmem>>, vector<128x64xf32>
    %dot_general3A_88 = arith.constant dense<0.000000e+00> : vector<64x64xf32>
    %dot_general3A_89 = tpu.matmul %add3A_84, %get3A_87, %dot_general3A_88 {dimension_numbers = #tpu.dot_dimension_numbers<[1], [0], [0], [1], [0, 0, 1, 1], [], []>, transpose_lhs_hint = false} : vector<64x128xf32>, vector<128x64xf32>, vector<64x64xf32> -> vector<64x64xf32>
    %get3A_90 = arith.constant 0 : index
    %get3A_91 = arith.constant 0 : index
    %get3A_92 = vector.load %arg12[%get3A_90, %get3A_91] : memref<1x64xf32, #tpu.memory_space<vmem>>, vector<1x64xf32>
    %add3A_93 = vector.broadcast %get3A_92 : vector<1x64xf32> to vector<64x64xf32>
    %add3A_94 = arith.addf %dot_general3A_89, %add3A_93 : vector<64x64xf32>
    %get3A_95 = arith.constant 0 : index
    %get3A_96 = arith.constant 0 : index
    %get3A_97 = vector.load %arg13[%get3A_95, %get3A_96] : memref<1x64xf32, #tpu.memory_space<vmem>>, vector<1x64xf32>
    %mul3A_98 = arith.constant 0.999994993 : f32
    %mul3A_99 = vector.broadcast %mul3A_98 : f32 to vector<1x64xf32>
    %mul3A_100 = arith.mulf %get3A_97, %mul3A_99 : vector<1x64xf32>
    %mul3A_101 = vector.broadcast %mul3A_100 : vector<1x64xf32> to vector<64x64xf32>
    %mul3A_102 = arith.mulf %add3A_94, %mul3A_101 : vector<64x64xf32>
    %get3A_103 = arith.constant 0 : index
    %get3A_104 = arith.constant 0 : index
    %get3A_105 = vector.load %arg14[%get3A_103, %get3A_104] : memref<1x64xf32, #tpu.memory_space<vmem>>, vector<1x64xf32>
    %add3A_106 = vector.broadcast %get3A_105 : vector<1x64xf32> to vector<64x64xf32>
    %add3A_107 = arith.addf %mul3A_102, %add3A_106 : vector<64x64xf32>
    %ge3A = arith.constant 0.000000e+00 : f32
    %ge3A_108 = vector.broadcast %ge3A : f32 to vector<64x64xf32>
    %ge3A_109 = arith.cmpf oge, %add3A_107, %ge3A_108 : vector<64x64xf32>
    %get3A_110 = arith.constant 0 : index
    %get3A_111 = arith.constant 0 : index
    %get3A_112 = vector.load %arg15[%get3A_110, %get3A_111] : memref<1x1xf32, #tpu.memory_space<vmem>>, vector<1x1xf32>
    %mul3A_113 = vector.broadcast %get3A_112 : vector<1x1xf32> to vector<64x64xf32>
    %mul3A_114 = arith.mulf %mul3A_113, %add3A_107 : vector<64x64xf32>
    %select_n3A = arith.select %ge3A_109, %add3A_107, %mul3A_114 : vector<64x64xi1>, vector<64x64xf32>
    %get3A_115 = arith.constant 0 : index
    %get3A_116 = arith.constant 0 : index
    %get3A_117 = vector.load %arg16[%get3A_115, %get3A_116] : memref<64x10xf32, #tpu.memory_space<vmem>>, vector<64x10xf32>
    %dot_general3A_118 = arith.constant dense<0.000000e+00> : vector<64x10xf32>
    %dot_general3A_119 = tpu.matmul %select_n3A, %get3A_117, %dot_general3A_118 {dimension_numbers = #tpu.dot_dimension_numbers<[1], [0], [0], [1], [0, 0, 1, 1], [], []>, transpose_lhs_hint = false} : vector<64x64xf32>, vector<64x10xf32>, vector<64x10xf32> -> vector<64x10xf32>
    %get3A_120 = arith.constant 0 : index
    %get3A_121 = arith.constant 0 : index
    %get3A_122 = vector.load %arg17[%get3A_120, %get3A_121] : memref<1x10xf32, #tpu.memory_space<vmem>>, vector<1x10xf32>
    %add3A_123 = vector.broadcast %get3A_122 : vector<1x10xf32> to vector<64x10xf32>
    %add3A_124 = arith.addf %dot_general3A_119, %add3A_123 : vector<64x10xf32>
    %swap3A = arith.constant 0 : index
    %swap3A_125 = arith.constant 0 : index
    %swap3A_126 = vector.load %arg18[%swap3A, %swap3A_125] : memref<64x10xf32, #tpu.memory_space<vmem>>, vector<64x10xf32>
    tpu.vector_store %arg18[%swap3A, %swap3A_125], %add3A_124 {strides = array<i32>} : memref<64x10xf32, #tpu.memory_space<vmem>>, vector<64x10xf32>,
    return
  }
}

</mosaic_0001>

<sc_bundles>
// kernel: kernel.10.cloned.1.call-start
scs
__scs_entry_jumppad:
0x0: {  	(pc) =	sbr.rel $0x88, $3  }
0x1: {  	(tag) =	ssettag $0x0;
	lr =	simm.s32 $0x1  }
0x2: {  	[smem:$0x3F83] =	sst lr;
	_ =	strace $0xD0000000  }
0x3: {  	_ = 	snop  }
0x4: {  	_ = 	snop  }
0x5: {  	_ = 	snop  }
0x6: {  	_ = 	snop  }
0x7: {  	_ = 	snop  }
__scs_overlays_trampoline_lowered:
0x8: {  	[smem:$0x3F92] =	sst s0  }
0x9: {  	[smem:$0x3F93] =	sst s1  }
0xa: {  	[smem:$0x3F94] =	sst s2  }
0xb: {  	[smem:$0x3F95] =	sst s3  }
0xc: {  	[smem:$0x3F96] =	sst s4  }
0xd: {  	[smem:$0x3F97] =	sst s5  }
0xe: {  	[smem:$0x3F98] =	sst s6  }
0xf: {  	[smem:$0x3F99] =	sst s7  }
0x10: {  	[smem:$0x3F9A] =	sst s8  }
0x11: {  	[smem:$0x3F9B] =	sst s9;
	s0 =	simm.s32 @!p0 $0x0  }
0x12: {  	s1 =	sld [smem:$0x3F81];
	s0 =	simm.s32 @p0 $0x1  }
0x13: {  	[smem:$0x3F9C] =	sst s0;
	s0 =	simm.s32 @!p1 $0x0  }
0x14: {  	s2 =	sld [smem:$0x3F80];
	s0 =	simm.s32 @p1 $0x1  }
0x15: {  	[smem:$0x3F9D] =	sst s0;
	s0 =	simm.s32 @!p2 $0x0  }
0x16: {  	s3 =	sld [smem:$0x3FDB];
	s0 =	simm.s32 @p2 $0x1  }
0x17: {  	s4 =	simm.s32 $0x1BF5;
	[smem:$0x3F9F] =	sst s0  }
0x18: {  	s0 =	sld [smem:$0x3F82];
	_ =	swait.ge [sflag:s4], $0x0  }
0x19: {  	s7 =	sld [smem:$0x3F83]  }
0x1a: {  	s8 =	sadd.s32 $0xFFFFE003, lr  }
0x1b: {  	s9 =	sadd.s32 $0xFFFFFEF7, lr;
	s5 =	simm.s32 $0xFFFFFFFF;
	p2 =	slt.u32 s8, $0xFFFFF086  }
0x1c: {  	p1 =	slt.u32 s9, $0xF7A;
	s5 =	simm.s32 @!p2 $0x0  }
0x1d: {  	s5 =	simm.s32 @p1 $0x1;
	p0 =	seq.s32 s7, s2  }
0x1e: {  	s7 =	smul.u32 @!p0 $0xF7A, s2;
	p2 =	seq.s32 @!p0 s5, $0x0  }
0x1f: {  	s9 =	smul.u32 $0xF7A, s1;
	s8 =	simm.s32 @!p0 $0x1BF5;
	p2 =	por !p2, p0  }
0x20: {  	[sflag:s8] =	ssyncset.s32 @!p0 $0xFFFFF086;
	s6 =	sadd.s32 @!p0 s3, s7;
	s7 =	simm.s32 @!p0 $0x108  }
0x21: {  	s3 =	sadd.s32 s3, s9;
	s6 =	sadd.s32 @!p0 $0x88, s6;
	s7 =	simm.s32 @p2 $0x1082  }
0x22: {  	[simem:s7], [sflag:s8] =	dma.local @!p0 [hbm:s6], $0xF7A  }
0x23: {  	s9 =	sor.u32 $0xD0000000, s2;
	s6 =	simm.s32 $0x108;
	_ =	swait.ge @!p0 [sflag:s8], $0x0  }
0x24: {  	s3 =	sadd.s32 $0x88, s3;
	s6 =	simm.s32 @!p1 $0x1082;
	[sflag:s4] =	ssyncset.s32 $0xFFFFF086  }
0x25: {  	[simem:s6], [sflag:s4] =	dma.local [hbm:s3], $0xF7A  }
0x26: {  	[smem:$0x3F83] =	sst s1;
	(tag) =	ssettag s2;
	_ =	strace s9  }
0x27: {  	s1 =	sld [smem:$0x3F93]  }
0x28: {  	s2 =	sld [smem:$0x3F94]  }
0x29: {  	s4 =	sld [smem:$0x3F96]  }
0x2a: {  	p0 =	seq.s32 s5, $0x0;
	s5 =	sld [smem:$0x3F97]  }
0x2b: {  	s6 =	sld [smem:$0x3F98]  }
0x2c: {  	s7 =	sld [smem:$0x3F99]  }
0x2d: {  	s3 =	simm.s32 $0x108;
	s8 =	sld [smem:$0x3F9A]  }
0x2e: {  	s3 =	simm.s32 @!p0 $0x1082;
	s9 =	sld [smem:$0x3F9B]  }
0x2f: {  	lr =	sadd.s32 s0, s3;
	s0 =	sld [smem:$0x3F92]  }
0x30: {  	s3 =	sld [smem:$0x3F95]  }
0x31: {  	[smem:$0x3F9E] =	sst s10  }
0x32: {  	s10 =	sld [smem:$0x3F9C];
	_ =	sdelay $0x3  }
0x33: {  	p0 =	seq.s32 s10, $0x1;
	s10 =	sld [smem:$0x3F9E];
	_ =	sdelay $0x3  }
0x34: {  	[smem:$0x3F9E] =	sst s10  }
0x35: {  	s10 =	sld [smem:$0x3F9D];
	_ =	sdelay $0x3  }
0x36: {  	p1 =	seq.s32 s10, $0x1;
	s10 =	sld [smem:$0x3F9E];
	_ =	sdelay $0x3  }
0x37: {  	[smem:$0x3F9E] =	sst s10  }
0x38: {  	s10 =	sld [smem:$0x3F9F]  }
0x39: {  	_ = 	snop;
	(pc) =	sbr.ind lr, $3  }
0x3a: {  	_ = 	snop  }
0x3b: {  	_ = 	snop  }
0x3c: {  	p2 =	seq.s32 s10, $0x1;
	s10 =	sld [smem:$0x3F9E]  }
0x3d: {  	_ =	shalt  }
0x3e: {  	_ =	shalt  }
0x3f: {  	_ =	shalt  }
0x40: {  	_ =	shalt  }
0x41: {  	_ =	shalt  }
0x42: {  	_ =	shalt  }
0x43: {  	_ =	shalt  }
0x44: {  	_ =	shalt  }
0x45: {  	_ =	shalt  }
0x46: {  	_ =	shalt  }
0x47: {  	_ =	shalt  }
0x48: {  	_ =	shalt  }
0x49: {  	_ =	shalt  }
0x4a: {  	_ =	shalt  }
0x4b: {  	_ =	shalt  }
0x4c: {  	_ =	shalt  }
0x4d: {  	_ =	shalt  }
0x4e: {  	_ =	shalt  }
0x4f: {  	_ =	shalt  }
0x50: {  	_ =	shalt  }
0x51: {  	_ =	shalt  }
0x52: {  	_ =	shalt  }
0x53: {  	_ =	shalt  }
0x54: {  	_ =	shalt  }
0x55: {  	_ =	shalt  }
0x56: {  	_ =	shalt  }
0x57: {  	_ =	shalt  }
0x58: {  	_ =	shalt  }
0x59: {  	_ =	shalt  }
0x5a: {  	_ =	shalt  }
0x5b: {  	_ =	shalt  }
0x5c: {  	_ =	shalt  }
0x5d: {  	_ =	shalt  }
0x5e: {  	_ =	shalt  }
0x5f: {  	_ =	shalt  }
0x60: {  	_ =	shalt  }
0x61: {  	_ =	shalt  }
0x62: {  	_ =	shalt  }
0x63: {  	_ =	shalt  }
0x64: {  	_ =	shalt  }
0x65: {  	_ =	shalt  }
0x66: {  	_ =	shalt  }
0x67: {  	_ =	shalt  }
0x68: {  	_ =	shalt  }
0x69: {  	_ =	shalt  }
0x6a: {  	_ =	shalt  }
0x6b: {  	_ =	shalt  }
0x6c: {  	_ =	shalt  }
0x6d: {  	_ =	shalt  }
0x6e: {  	_ =	shalt  }
0x6f: {  	_ =	shalt  }
0x70: {  	_ =	shalt  }
0x71: {  	_ =	shalt  }
0x72: {  	_ =	shalt  }
0x73: {  	_ =	shalt  }
0x74: {  	_ =	shalt  }
0x75: {  	_ =	shalt  }
0x76: {  	_ =	shalt  }
0x77: {  	_ =	shalt  }
0x78: {  	_ =	shalt  }
0x79: {  	_ =	shalt  }
0x7a: {  	_ =	shalt  }
0x7b: {  	_ =	shalt  }
0x7c: {  	_ =	shalt  }
0x7d: {  	_ =	shalt  }
0x7e: {  	_ =	shalt  }
0x7f: {  	_ =	shalt  }
0x80: {  	_ =	shalt  }
0x81: {  	_ =	shalt  }
0x82: {  	_ =	shalt  }
0x83: {  	_ =	shalt  }
0x84: {  	_ =	shalt  }
0x85: {  	_ =	shalt  }
0x86: {  	_ =	shalt  }
0x87: {  	_ =	shalt  }
.Lfunc_end0:
.L_simem_size_0:
called_computation.1_lowered:
.L_overlay_start_0:
0x88: {  	s2 =	sld [smem:$0x3FD9]  }
0x89: {  	s3 =	sld [smem:$0x3FFE];
	_ =	sdelay $0x1  }
0x8a: {  	s1 =	srdreg.scid  }
0x8b: {  	s0 =	sand.u32 $0x1, s1  }
0x8c: {  	s16 =	sshll.u32 s0, $0xA;
	s2 =	sadd.s32 s3, s2  }
0x8d: {  	s2 =	sadd.s32 s2, s16  }
0x8e: {  	[smem:$0x3FAA] =	sst s2  }
0x8f: {  	_ = 	snop  }
0x90: {  	(tm) =	ssettm $0x1  }
0x91: {  	s17 =	sld [smem:$0x3FFB];
	_ =	sdelay $0x3  }
0x92: {  	_ =	strace s17  }
0x93: {  	s2 =	sld [smem:$0x3FFC];
	_ =	sdelay $0x3  }
0x94: {  	_ =	strace s2  }
0x95: {  	s2 =	sld [smem:$0x3FFD];
	_ =	sdelay $0x3  }
0x96: {  	_ =	strace s2  }
0x97: {  	_ =	strace $0x8FFFFFFF  }
0x98: {  	s18 =	sld [smem:$0x3FDB];
	_ =	sdelay $0x1  }
0x99: {  	s19 =	simm.s32 $_scs_section_size  }
0x9a: {  	s4 =	simm.s32 $_size__tile_overlayer_lowered;
	s5 =	simm.s32 $_tile_overlayer_lowered  }
0x9b: {  	s22 =	simm.s32 $0x1BFF;
	s21 =	sshll.u32 s5, $0x1;
	s2 =	sadd.s32 s19, s18  }
0x9c: {  	s6 =	simm.s32 $0x0;
	s20 =	sshll.u32 s4, $0x1;
	s4 =	sadd.s32 s21, s2  }
0x9d: {  	[timem:s6], [sflag:s22] =	dma.local [hbm:s4], s20  }
0x9e: {  	_ =	swait.ge [sflag:s22], s20  }
0x9f: {  	s3 =	ssub.s32 $0x0, s20;
	[sflag:s22] =	ssyncset.done $0x0  }
0xa0: {  	[sflag:s22] =	ssyncadd.s32 s3;
	_ =	sdelay $0x1  }
0xa1: {  	s23 =	simm.s32 $0x1B8B  }
0xa2: {  	_ =	swait.ge [sflag:s23], $0x1  }
0xa3: {  	[sflag:s23] =	ssyncset.done $0x0  }
0xa4: {  	s25 =	simm.s32 $0x1B8E;
	s24 =	sld [smem:$0x3FFE];
	[sflag:s23] =	ssyncadd.s32 $0xFFFFFFFF  }
0xa5: {  	s26 =	simm.s32 $execute0_lowered;
	[smem:$0x3FD2] =	sst s25  }
0xa6: {  	s4 =	sshll.u32 s26, $0x1;
	_ =	strace $0x80000049;
	[dreg:$0x1] =	wrdreg $0xFFFFFFFF  }
0xa7: {  	s28 =	simm.s32 $_size_execute0_lowered;
	s2 =	sadd.s32 s2, s4;
	[dreg:$0x0] =	wrdreg $0x0  }
0xa8: {  	s4 =	sshll.u32 s28, $0x1;
	[dreg:$0x2] =	wrdreg s2  }
0xa9: {  	[dreg:$0x3] =	wrdreg s4  }
0xaa: {  	[dreg:$0x4] =	wrdreg $0xC0  }
0xab: {  	_ =	task [dreg:s6], $0x5FFFF  }
0xac: {  	[dreg:$0x1] =	wrdreg $0xFFFFFFFF  }
0xad: {  	[dreg:$0x0] =	wrdreg $0x60  }
0xae: {  	[dreg:$0x2] =	wrdreg s24  }
0xaf: {  	[dreg:$0x3] =	wrdreg $0x51000  }
0xb0: {  	[dreg:$0x4] =	wrdreg $0x9  }
0xb1: {  	_ =	task.clear_ibuf [dreg:s6], $0x5FFFF;
	_ =	strace $0x90000049  }
0xb2: {  	s29 =	simm.s32 $0x9;
	_ =	strace $0x8000004B  }
0xb3: {  	_ =	swait.ge [sflag:s29], $0x1  }
0xb4: {  	[sflag:s29] =	ssyncadd.s32 $0xFFFFFFFF  }
0xb5: {  	_ =	strace $0x9000004B  }
0xb6: {  	_ =	sfence  }
0xb7: {  	s30 =	sld [smem:$0x0];
	_ =	sdelay $0x2  }
0xb8: {  	s31 =	sshll.u32 s1, $0xD;
	s1 =	sshrl.u32 s1, $0x2  }
0xb9: {  	s3 =	sand.u32 $0x4000, s31;
	s1 =	sadd.s32 s1, s30  }
0xba: {  	s0 =	sor.u32 s3, s0;
	s1 =	sshll.u32 s1, $0x11  }
0xbb: {  	s0 =	sor.u32 s1, s0  }
0xbc: {  	s0 =	sadd.s32 $0x8F2B, s0  }
0xbd: {  	[sflag:s0] =	ssyncadd.remote.s32 $0x1  }
0xbe: {  	_ =	sfence.sel $0xFFFF  }
0xbf: {  	[dreg:$0x0] =	wrdreg $0xFFFFFFFF;
	(pc) =	sbr.abs _section_cstart, $3  }
0xc0: {  	[dreg:$0x1] =	wrdreg $0xFFFFFFFF  }
0xc1: {  	_ =	task.clear_ibuf [dreg:s6], $0x2FFFF;
	_ =	strace $0x9FFFFFFF  }
0xc2: {  	(tm) =	ssettm $0x7FFFFFFF  }
0xc3: {  	_ =	shalt  }
tec
execute0_lowered:
.L_overlay_start_1:
0x0: {  	(tag) =	ssettag $0x1  }
0x1: {  	s1 =	srdreg.scid;
	s5 =	rddreg [dreg:$0x0]  }
0x2: {  	s0 =	stileid.u32;
	s2 =	rddreg [dreg:$0x1]  }
0x3: {  	s3 =	simm.s32 $0x0;
	s19 =	simm.s32 $0x2900;
	s20 =	simm.s32 $0x2  }
0x4: {  	s21 =	simm.s32 $0x80;
	s22 =	simm.s32 $0x50;
	s23 =	simm.s32 $0x100  }
0x5: {  	s24 =	simm.s32 $0x1;
	s25 =	simm.s32 $0x0;
	s4 =	smul.u32 $0x4E20, s0  }
0x6: {  	s6 =	sand.u32 $0x1, s1;
	s1 =	rddreg [dreg:$0x2];
	s8 =	smul.u32 $0x4E000, s0  }
0x7: {  	[smem:$0x7FF] =	sst s3;
	s15 =	sadd.s32 $0x3FE00, s5;
	s12 =	smul.u32 $0x13800, s0  }
0x8: {  	p0 =	sne.s32 s0, $0xF;
	s7 =	smul.u32 $0x2710, s6;
	s29 =	ssub.s32 $0x2, s6  }
0x9: {  	_ =	strace $0x8000004A;
	s13 =	smul.u32 $0x138800, s6;
	s31 =	sshrl.u32 s29, $0x1  }
0xa: {  	s30 =	sshrl.u32 s8, $0x2;
	s4 =	sadd.s32 s7, s4;
	s16 =	ssub.s32 s29, s31  }
0xb: {  	s14 =	sadd.s32 s12, s13;
	s17 =	sshrl.u32 s13, $0x3;
	s13 =	sadd.s32 $0x138000, s2  }
0xc: {  	s7 =	sshrl.u32 s4, $0x3;
	s4 =	sadd.s32 $0x18C00, s5;
	s14 =	sshrl.u32 s14, $0x3  }
0xd: {  	s16 =	smax.u32 s16, $0x1;
	s18 =	sadd.s32 s7, s5;
	s5 =	sadd.s32 s30, s2  }
0xe: {  	s14 =	sadd.s32 s15, s14;
	s15 =	sadd.s32 s15, s17;
	s6 =	sadd.s32 $0x2700, s5  }
0xf: {  	s7 =	sadd.s32 $0x4E00, s5;
	s8 =	sadd.s32 $0x7500, s5;
	s9 =	sadd.s32 $0x9C00, s5  }
0x10: {  	s10 =	sadd.s32 $0xC300, s5;
	s11 =	sadd.s32 $0xEA00, s5;
	s12 =	sadd.s32 $0x11100, s5  }
0x11: {  	v0 =	vimm.f32 $0.0e+00;
	s15 =	sadd.s32 $0x27000, s15;
	s17 =	sadd.s32 $0x5000, s18;
	s18 =	sadd.s32 $0xEE00, s18  }
.LBB2_1:
0x12: {  	s26 =	simm.s32 $0x0;
	s28 =	simm.s32 $0x200  }
.LBB2_2:
0x13: {  	p1 =	sne.s32 s28, $0x9A00;
	[tilespmem:s26+$0x2970] =	vst v0  }
0x14: {  	[tilespmem:s26+$0x2900] =	vst v0  }
0x15: {  	[tilespmem:s26+$0x2910] =	vst v0  }
.Ltmp0:
0x16: {  	[tilespmem:s26+$0x2920] =	vst v0;
	(pc) =	sbr.rel @p1 .LBB2_2-.Ltmp0, $4  }
0x17: {  	[tilespmem:s26+$0x2930] =	vst v0  }
0x18: {  	[tilespmem:s26+$0x2940] =	vst v0  }
0x19: {  	[tilespmem:s26+$0x2950] =	vst v0  }
0x1a: {  	[tilespmem:s26+$0x2960] =	vst v0;
	s26 =	sshra.s32 s28, $0x2;
	s28 =	sadd.s32 $0x200, s28  }
0x1b: {  	[tilespmem:s26+$0x2970] =	vst v0  }
0x1c: {  	[tilespmem:s26+$0x2900] =	vst v0  }
0x1d: {  	[tilespmem:s26+$0x2910] =	vst v0  }
0x1e: {  	[tilespmem:s26+$0x2920] =	vst v0  }
0x1f: {  	[tilespmem:s26+$0x2930] =	vst v0  }
0x20: {  	[tilespmem:s26+$0x2940] =	vst v0  }
0x21: {  	[tilespmem:s26+$0x2950] =	vst v0  }
0x22: {  	[tilespmem:s26+$0x2960] =	vst v0  }
0x23: {  	[spmem:s5] =	stream.linear.scatter [tilespmem:s19], [sflag:$0x2], $0x2700, $0x38;
	[tilespmem:$0x18980] =	vst v63  }
0x24: {  	_ =	swait.ge [sflag:s20], $0x2700  }
0x25: {  	[sflag:s20] =	ssyncset.done $0x0  }
0x26: {  	[sflag:s20] =	ssyncadd.s32 $0xFFFFD900  }
0x27: {  	[spmem:s6] =	stream.linear.scatter [tilespmem:s19], [sflag:$0x2], $0x2700, $0x38;
	[tilespmem:$0x18980] =	vst v63  }
0x28: {  	_ =	swait.ge [sflag:s20], $0x2700  }
0x29: {  	[sflag:s20] =	ssyncset.done $0x0  }
0x2a: {  	[sflag:s20] =	ssyncadd.s32 $0xFFFFD900  }
0x2b: {  	[spmem:s7] =	stream.linear.scatter [tilespmem:s19], [sflag:$0x2], $0x2700, $0x38;
	[tilespmem:$0x18980] =	vst v63  }
0x2c: {  	_ =	swait.ge [sflag:s20], $0x2700  }
0x2d: {  	[sflag:s20] =	ssyncset.done $0x0  }
0x2e: {  	[sflag:s20] =	ssyncadd.s32 $0xFFFFD900  }
0x2f: {  	[spmem:s8] =	stream.linear.scatter [tilespmem:s19], [sflag:$0x2], $0x2700, $0x38;
	[tilespmem:$0x18980] =	vst v63  }
0x30: {  	_ =	swait.ge [sflag:s20], $0x2700  }
0x31: {  	[sflag:s20] =	ssyncset.done $0x0  }
0x32: {  	[sflag:s20] =	ssyncadd.s32 $0xFFFFD900  }
0x33: {  	[spmem:s9] =	stream.linear.scatter [tilespmem:s19], [sflag:$0x2], $0x2700, $0x38;
	[tilespmem:$0x18980] =	vst v63  }
0x34: {  	_ =	swait.ge [sflag:s20], $0x2700  }
0x35: {  	[sflag:s20] =	ssyncset.done $0x0  }
0x36: {  	[sflag:s20] =	ssyncadd.s32 $0xFFFFD900  }
0x37: {  	[spmem:s10] =	stream.linear.scatter [tilespmem:s19], [sflag:$0x2], $0x2700, $0x38;
	[tilespmem:$0x18980] =	vst v63  }
0x38: {  	_ =	swait.ge [sflag:s20], $0x2700  }
0x39: {  	[sflag:s20] =	ssyncset.done $0x0  }
0x3a: {  	[sflag:s20] =	ssyncadd.s32 $0xFFFFD900  }
0x3b: {  	[spmem:s11] =	stream.linear.scatter [tilespmem:s19], [sflag:$0x2], $0x2700, $0x38;
	[tilespmem:$0x18980] =	vst v63  }
0x3c: {  	_ =	swait.ge [sflag:s20], $0x2700  }
0x3d: {  	[sflag:s20] =	ssyncset.done $0x0  }
0x3e: {  	[sflag:s20] =	ssyncadd.s32 $0xFFFFD900  }
0x3f: {  	[spmem:s12] =	stream.linear.scatter [tilespmem:s19], [sflag:$0x2], $0x2700, $0x38;
	[tilespmem:$0x18980] =	vst v63  }
0x40: {  	_ =	swait.ge [sflag:s20], $0x2700  }
0x41: {  	[sflag:s20] =	ssyncset.done $0x0  }
0x42: {  	s26 =	simm.s32 @!p0 $0x2900;
	[sflag:s20] =	ssyncadd.s32 $0xFFFFD900  }
0x43: {  	[spmem:s13] =	stream.linear.scatter @!p0 [tilespmem:s26], [sflag:$0x2], $0x800, $0x38;
	[tilespmem:$0x18980] =	vst v63  }
0x44: {  	s26 =	simm.s32 @!p0 $0x2  }
0x45: {  	_ =	swait.ge @!p0 [sflag:s26], $0x800  }
0x46: {  	[sflag:s26] =	ssyncset.done @!p0 $0x0  }
0x47: {  	[sflag:s26] =	ssyncadd.s32 @!p0 $0xFFFFF800  }
0x48: {  	s30 =	sadd.s32 $0x0, s18;
	[bflag:$0x0] =	sbarrier.arrive $0xFFFF  }
0x49: {  	[tilespmem:s3], [sflag:$0x2] =	stream.linear.gather [hbm4b:s30+s3], $0x50, $0x38;
	[tilespmem:$0x18980] =	vst v63  }
0x4a: {  	_ =	swait.ge [sflag:s20], $0x50  }
0x4b: {  	[sflag:s20] =	ssyncset.done $0x0  }
0x4c: {  	s31 =	sadd.s32 $0x0, s17;
	[sflag:s20] =	ssyncadd.s32 $0xFFFFFFB0  }
0x4d: {  	[tilespmem:s21], [sflag:$0x2] =	stream.linear.gather [hbm4b:s31+s3], $0x50, $0x38;
	[tilespmem:$0x18980] =	vst v63  }
0x4e: {  	_ =	swait.ge [sflag:s20], $0x50  }
0x4f: {  	[sflag:s20] =	ssyncset.done $0x0  }
0x50: {  	[sflag:s20] =	ssyncadd.s32 $0xFFFFFFB0  }
0x51: {  	[tilespmem:s23], [sflag:$0x1] =	stream.indirect.gather [hbm4b:s4+s22], $0x80, s3, s22, $0xb8;
	[tilespmem:$0x18980] =	vst v63  }
0x52: {  	_ =	swait.ge [sflag:s24], $0x2800  }
0x53: {  	[sflag:s24] =	ssyncset.done $0x0  }
0x54: {  	[sflag:s24] =	ssyncadd.s32 $0xFFFFD800  }
0x55: {  	[spmem:s2] =	stream.indirect.scatter.add.f32 [tilespmem:s23], [sflag:$0x2], $0x80, s21, s22, $0xb8;
	[tilespmem:$0x18980] =	vst v63  }
0x56: {  	_ =	swait.ge [sflag:s20], $0x2800  }
0x57: {  	s28 =	simm.s32 $0x14;
	s26 =	simm.s32 $0xA;
	[sflag:s20] =	ssyncset.done $0x0  }
.LBB2_4:
0x58: {  	s29 =	sadd.s32 s26, s18  }
0x59: {  	[sflag:s20] =	ssyncadd.s32 $0xFFFFD800;
	s30 =	smov.u32 s28;
	s31 =	sadd.s32 $0xA, s28  }
0x5a: {  	[tilespmem:s3], [sflag:$0x2] =	stream.linear.gather [hbm4b:s29+s3], $0x50, $0x38;
	[tilespmem:$0x18980] =	vst v63  }
0x5b: {  	p1 =	sne.s32 s28, $0x4D8;
	_ =	swait.ge [sflag:s20], $0x50  }
0x5c: {  	[sflag:s20] =	ssyncset.done $0x0  }
0x5d: {  	s28 =	sadd.s32 s26, s17;
	s26 =	smov.u32 s30;
	[sflag:s20] =	ssyncadd.s32 $0xFFFFFFB0  }
0x5e: {  	[tilespmem:s21], [sflag:$0x2] =	stream.linear.gather [hbm4b:s28+s3], $0x50, $0x38;
	[tilespmem:$0x18980] =	vst v63  }
0x5f: {  	_ =	swait.ge [sflag:s20], $0x50  }
0x60: {  	[sflag:s20] =	ssyncset.done $0x0  }
0x61: {  	[sflag:s20] =	ssyncadd.s32 $0xFFFFFFB0  }
0x62: {  	[tilespmem:s23], [sflag:$0x1] =	stream.indirect.gather [hbm4b:s4+s22], $0x80, s3, s22, $0xb8;
	[tilespmem:$0x18980] =	vst v63  }
0x63: {  	_ =	swait.ge [sflag:s24], $0x2800  }
.Ltmp1:
0x64: {  	[sflag:s24] =	ssyncset.done $0x0;
	(pc) =	sbr.rel @p1 .LBB2_4-.Ltmp1, $4  }
0x65: {  	[sflag:s24] =	ssyncadd.s32 $0xFFFFD800  }
0x66: {  	[spmem:s2] =	stream.indirect.scatter.add.f32 [tilespmem:s23], [sflag:$0x2], $0x80, s21, s22, $0xb8;
	[tilespmem:$0x18980] =	vst v63  }
0x67: {  	_ =	swait.ge [sflag:s20], $0x2800  }
0x68: {  	s28 =	smov.u32 s31;
	[sflag:s20] =	ssyncset.done $0x0  }
0x69: {  	s28 =	sadd.s32 s26, s18;
	[sflag:s20] =	ssyncadd.s32 $0xFFFFD800  }
0x6a: {  	[tilespmem:s3], [sflag:$0x2] =	stream.linear.gather [hbm4b:s28+s3], $0x50, $0x38;
	[tilespmem:$0x18980] =	vst v63  }
0x6b: {  	_ =	swait.ge [sflag:s20], $0x50  }
0x6c: {  	[sflag:s20] =	ssyncset.done $0x0  }
0x6d: {  	s29 =	sadd.s32 s26, s17;
	[sflag:s20] =	ssyncadd.s32 $0xFFFFFFB0  }
0x6e: {  	[tilespmem:s21], [sflag:$0x2] =	stream.linear.gather [hbm4b:s29+s3], $0x50, $0x38;
	[tilespmem:$0x18980] =	vst v63  }
0x6f: {  	_ =	swait.ge [sflag:s20], $0x50  }
0x70: {  	[sflag:s20] =	ssyncset.done $0x0  }
0x71: {  	[sflag:s20] =	ssyncadd.s32 $0xFFFFFFB0  }
0x72: {  	[tilespmem:s23], [sflag:$0x1] =	stream.indirect.gather [hbm4b:s4+s22], $0x80, s3, s22, $0xb8;
	[tilespmem:$0x18980] =	vst v63  }
0x73: {  	_ =	swait.ge [sflag:s24], $0x2800  }
0x74: {  	[sflag:s24] =	ssyncset.done $0x0  }
0x75: {  	[sflag:s24] =	ssyncadd.s32 $0xFFFFD800  }
0x76: {  	[spmem:s2] =	stream.indirect.scatter.add.f32 [tilespmem:s23], [sflag:$0x2], $0x80, s21, s22, $0xb8;
	[tilespmem:$0x18980] =	vst v63  }
0x77: {  	_ =	swait.ge [sflag:s20], $0x2800  }
0x78: {  	[sflag:s20] =	ssyncset.done $0x0  }
0x79: {  	s30 =	sshll.u32 s0, $0x6;
	[sflag:s20] =	ssyncadd.s32 $0xFFFFD800  }
0x7a: {  	s31 =	sshrl.u32 s5, $0x3;
	s26 =	sor.u32 $0x1C02, s30;
	[bflag:$0x0] =	sbarrier.arrive $0xFFFF  }
0x7b: {  	[hbm:s14], [sflag:s26] =	dma.local [spmem:s31], $0x2700  }
0x7c: {  	_ =	swait.ge [sflag:s20], $0x2700  }
0x7d: {  	s25 =	sadd.s32 $0x1, s25;
	[sflag:s20] =	ssyncset.done $0x0  }
0x7e: {  	s28 =	sshrl.u32 @!p0 s13, $0x3;
	p1 =	sne.s32 s25, s16;
	[sflag:s20] =	ssyncadd.s32 $0xFFFFD900  }
0x7f: {  	[hbm:s15], [sflag:s26] =	dma.local @!p0 [spmem:s28], $0x100  }
.Ltmp2:
0x80: {  	_ = 	snop;
	(pc) =	sbr.rel @p1 .LBB2_1-.Ltmp2, $4  }
0x81: {  	s26 =	simm.s32 @!p0 $0x2  }
0x82: {  	_ =	swait.ge @!p0 [sflag:s26], $0x100  }
0x83: {  	[sflag:s26] =	ssyncset.done @!p0 $0x0  }
0x84: {  	[sflag:s26] =	ssyncadd.s32 @!p0 $0xFFFFFF00  }
0x85: {  	_ =	sfence.sel $0x180000  }
0x86: {  	[bflag:$0x0] =	sbarrier.arrive $0xFFFF  }
0x87: {  	p0 =	sne.s32 s0, $0x0;
	_ =	strace $0x9000004A  }
0x88: {  	s0 =	sadd.s32 @!p0 $0x100000, s1;
	[bflag:$0x2] =	sbarrier.arrive $0xFFFF  }
0x89: {  	[sflag:s0] =	ssyncadd.tile.s32 @!p0 $0x1;
	_ =	shalt  }
.Lfunc_end2:
_tile_overlayer_lowered:
.L_overlay_start_2:
0x8a: {  	(tag) =	ssettag $0x2  }
0x8b: {  	s0 =	rddreg [dreg:$0x0];
	s2 =	stileid.u32  }
0x8c: {  	s1 =	rddreg [dreg:$0x1];
	p0 =	sne.s32 s2, $0x0  }
0x8d: {  	s3 =	rddreg [dreg:$0x2];
	[bflag:$0x3] =	sbarrier.arrive $0xFFFF;
	s2 =	simm.s32 @!p0 $0x1C02  }
0x8e: {  	[timem:s3], [sflag:s2] =	dma.local @!p0 [hbm:s0], s1  }
0x8f: {  	s0 =	simm.s32 @!p0 $0x2  }
0x90: {  	_ =	swait.ge @!p0 [sflag:s0], s1  }
0x91: {  	s1 =	ssub.s32 @!p0 $0x0, s1;
	[sflag:s0] =	ssyncset.done @!p0 $0x0  }
0x92: {  	[sflag:s0] =	ssyncadd.s32 @!p0 s1  }
0x93: {  	[bflag:$0x3] =	sbarrier.arrive $0xFFFF  }
0x94: {  	_ =	shalt  }

// kernel: kernel.7.cloned.1.call-start
scs
__scs_entry_jumppad:
0x0: {  	(pc) =	sbr.rel $0x88, $3  }
0x1: {  	(tag) =	ssettag $0x0;
	lr =	simm.s32 $0x1  }
0x2: {  	[smem:$0x3F83] =	sst lr;
	_ =	strace $0xD0000000  }
0x3: {  	_ = 	snop  }
0x4: {  	_ = 	snop  }
0x5: {  	_ = 	snop  }
0x6: {  	_ = 	snop  }
0x7: {  	_ = 	snop  }
__scs_overlays_trampoline_lowered:
0x8: {  	[smem:$0x3F92] =	sst s0  }
0x9: {  	[smem:$0x3F93] =	sst s1  }
0xa: {  	[smem:$0x3F94] =	sst s2  }
0xb: {  	[smem:$0x3F95] =	sst s3  }
0xc: {  	[smem:$0x3F96] =	sst s4  }
0xd: {  	[smem:$0x3F97] =	sst s5  }
0xe: {  	[smem:$0x3F98] =	sst s6  }
0xf: {  	[smem:$0x3F99] =	sst s7  }
0x10: {  	[smem:$0x3F9A] =	sst s8  }
0x11: {  	[smem:$0x3F9B] =	sst s9;
	s0 =	simm.s32 @!p0 $0x0  }
0x12: {  	s1 =	sld [smem:$0x3F81];
	s0 =	simm.s32 @p0 $0x1  }
0x13: {  	[smem:$0x3F9C] =	sst s0;
	s0 =	simm.s32 @!p1 $0x0  }
0x14: {  	s2 =	sld [smem:$0x3F80];
	s0 =	simm.s32 @p1 $0x1  }
0x15: {  	[smem:$0x3F9D] =	sst s0;
	s0 =	simm.s32 @!p2 $0x0  }
0x16: {  	s3 =	sld [smem:$0x3FDB];
	s0 =	simm.s32 @p2 $0x1  }
0x17: {  	s4 =	simm.s32 $0x1BF5;
	[smem:$0x3F9F] =	sst s0  }
0x18: {  	s0 =	sld [smem:$0x3F82];
	_ =	swait.ge [sflag:s4], $0x0  }
0x19: {  	s7 =	sld [smem:$0x3F83]  }
0x1a: {  	s8 =	sadd.s32 $0xFFFFE003, lr  }
0x1b: {  	s9 =	sadd.s32 $0xFFFFFEF7, lr;
	s5 =	simm.s32 $0xFFFFFFFF;
	p2 =	slt.u32 s8, $0xFFFFF086  }
0x1c: {  	p1 =	slt.u32 s9, $0xF7A;
	s5 =	simm.s32 @!p2 $0x0  }
0x1d: {  	s5 =	simm.s32 @p1 $0x1;
	p0 =	seq.s32 s7, s2  }
0x1e: {  	s7 =	smul.u32 @!p0 $0xF7A, s2;
	p2 =	seq.s32 @!p0 s5, $0x0  }
0x1f: {  	s9 =	smul.u32 $0xF7A, s1;
	s8 =	simm.s32 @!p0 $0x1BF5;
	p2 =	por !p2, p0  }
0x20: {  	[sflag:s8] =	ssyncset.s32 @!p0 $0xFFFFF086;
	s6 =	sadd.s32 @!p0 s3, s7;
	s7 =	simm.s32 @!p0 $0x108  }
0x21: {  	s3 =	sadd.s32 s3, s9;
	s6 =	sadd.s32 @!p0 $0x88, s6;
	s7 =	simm.s32 @p2 $0x1082  }
0x22: {  	[simem:s7], [sflag:s8] =	dma.local @!p0 [hbm:s6], $0xF7A  }
0x23: {  	s9 =	sor.u32 $0xD0000000, s2;
	s6 =	simm.s32 $0x108;
	_ =	swait.ge @!p0 [sflag:s8], $0x0  }
0x24: {  	s3 =	sadd.s32 $0x88, s3;
	s6 =	simm.s32 @!p1 $0x1082;
	[sflag:s4] =	ssyncset.s32 $0xFFFFF086  }
0x25: {  	[simem:s6], [sflag:s4] =	dma.local [hbm:s3], $0xF7A  }
0x26: {  	[smem:$0x3F83] =	sst s1;
	(tag) =	ssettag s2;
	_ =	strace s9  }
0x27: {  	s1 =	sld [smem:$0x3F93]  }
0x28: {  	s2 =	sld [smem:$0x3F94]  }
0x29: {  	s4 =	sld [smem:$0x3F96]  }
0x2a: {  	p0 =	seq.s32 s5, $0x0;
	s5 =	sld [smem:$0x3F97]  }
0x2b: {  	s6 =	sld [smem:$0x3F98]  }
0x2c: {  	s7 =	sld [smem:$0x3F99]  }
0x2d: {  	s3 =	simm.s32 $0x108;
	s8 =	sld [smem:$0x3F9A]  }
0x2e: {  	s3 =	simm.s32 @!p0 $0x1082;
	s9 =	sld [smem:$0x3F9B]  }
0x2f: {  	lr =	sadd.s32 s0, s3;
	s0 =	sld [smem:$0x3F92]  }
0x30: {  	s3 =	sld [smem:$0x3F95]  }
0x31: {  	[smem:$0x3F9E] =	sst s10  }
0x32: {  	s10 =	sld [smem:$0x3F9C];
	_ =	sdelay $0x3  }
0x33: {  	p0 =	seq.s32 s10, $0x1;
	s10 =	sld [smem:$0x3F9E];
	_ =	sdelay $0x3  }
0x34: {  	[smem:$0x3F9E] =	sst s10  }
0x35: {  	s10 =	sld [smem:$0x3F9D];
	_ =	sdelay $0x3  }
0x36: {  	p1 =	seq.s32 s10, $0x1;
	s10 =	sld [smem:$0x3F9E];
	_ =	sdelay $0x3  }
0x37: {  	[smem:$0x3F9E] =	sst s10  }
0x38: {  	s10 =	sld [smem:$0x3F9F]  }
0x39: {  	_ = 	snop;
	(pc) =	sbr.ind lr, $3  }
0x3a: {  	_ = 	snop  }
0x3b: {  	_ = 	snop  }
0x3c: {  	p2 =	seq.s32 s10, $0x1;
	s10 =	sld [smem:$0x3F9E]  }
0x3d: {  	_ =	shalt  }
0x3e: {  	_ =	shalt  }
0x3f: {  	_ =	shalt  }
0x40: {  	_ =	shalt  }
0x41: {  	_ =	shalt  }
0x42: {  	_ =	shalt  }
0x43: {  	_ =	shalt  }
0x44: {  	_ =	shalt  }
0x45: {  	_ =	shalt  }
0x46: {  	_ =	shalt  }
0x47: {  	_ =	shalt  }
0x48: {  	_ =	shalt  }
0x49: {  	_ =	shalt  }
0x4a: {  	_ =	shalt  }
0x4b: {  	_ =	shalt  }
0x4c: {  	_ =	shalt  }
0x4d: {  	_ =	shalt  }
0x4e: {  	_ =	shalt  }
0x4f: {  	_ =	shalt  }
0x50: {  	_ =	shalt  }
0x51: {  	_ =	shalt  }
0x52: {  	_ =	shalt  }
0x53: {  	_ =	shalt  }
0x54: {  	_ =	shalt  }
0x55: {  	_ =	shalt  }
0x56: {  	_ =	shalt  }
0x57: {  	_ =	shalt  }
0x58: {  	_ =	shalt  }
0x59: {  	_ =	shalt  }
0x5a: {  	_ =	shalt  }
0x5b: {  	_ =	shalt  }
0x5c: {  	_ =	shalt  }
0x5d: {  	_ =	shalt  }
0x5e: {  	_ =	shalt  }
0x5f: {  	_ =	shalt  }
0x60: {  	_ =	shalt  }
0x61: {  	_ =	shalt  }
0x62: {  	_ =	shalt  }
0x63: {  	_ =	shalt  }
0x64: {  	_ =	shalt  }
0x65: {  	_ =	shalt  }
0x66: {  	_ =	shalt  }
0x67: {  	_ =	shalt  }
0x68: {  	_ =	shalt  }
0x69: {  	_ =	shalt  }
0x6a: {  	_ =	shalt  }
0x6b: {  	_ =	shalt  }
0x6c: {  	_ =	shalt  }
0x6d: {  	_ =	shalt  }
0x6e: {  	_ =	shalt  }
0x6f: {  	_ =	shalt  }
0x70: {  	_ =	shalt  }
0x71: {  	_ =	shalt  }
0x72: {  	_ =	shalt  }
0x73: {  	_ =	shalt  }
0x74: {  	_ =	shalt  }
0x75: {  	_ =	shalt  }
0x76: {  	_ =	shalt  }
0x77: {  	_ =	shalt  }
0x78: {  	_ =	shalt  }
0x79: {  	_ =	shalt  }
0x7a: {  	_ =	shalt  }
0x7b: {  	_ =	shalt  }
0x7c: {  	_ =	shalt  }
0x7d: {  	_ =	shalt  }
0x7e: {  	_ =	shalt  }
0x7f: {  	_ =	shalt  }
0x80: {  	_ =	shalt  }
0x81: {  	_ =	shalt  }
0x82: {  	_ =	shalt  }
0x83: {  	_ =	shalt  }
0x84: {  	_ =	shalt  }
0x85: {  	_ =	shalt  }
0x86: {  	_ =	shalt  }
0x87: {  	_ =	shalt  }
.Lfunc_end0:
.L_simem_size_0:
called_computation_lowered:
.L_overlay_start_0:
0x88: {  	s2 =	sld [smem:$0x3FD9]  }
0x89: {  	s3 =	sld [smem:$0x3FFE];
	_ =	sdelay $0x1  }
0x8a: {  	s1 =	srdreg.scid  }
0x8b: {  	s0 =	sand.u32 $0x1, s1  }
0x8c: {  	s17 =	sshll.u32 s0, $0xA;
	s2 =	sadd.s32 s3, s2  }
0x8d: {  	s2 =	sadd.s32 s2, s17  }
0x8e: {  	[smem:$0x3FAA] =	sst s2  }
0x8f: {  	_ = 	snop  }
0x90: {  	s2 =	sld [smem:$0x3FC9];
	(tm) =	ssettm $0x1  }
0x91: {  	s18 =	sld [smem:$0x3FFB];
	_ =	sdelay $0x3  }
0x92: {  	_ =	strace s18  }
0x93: {  	s3 =	sld [smem:$0x3FFC];
	_ =	sdelay $0x3  }
0x94: {  	_ =	strace s3  }
0x95: {  	s3 =	sld [smem:$0x3FFD];
	_ =	sdelay $0x3  }
0x96: {  	_ =	strace s3  }
0x97: {  	_ =	strace $0x8FFFFFFF  }
0x98: {  	s19 =	sld [smem:$0x3FDB];
	_ =	sdelay $0x1  }
0x99: {  	s4 =	simm.s32 $_scs_section_size  }
0x9a: {  	s5 =	simm.s32 $_size__tile_overlayer_lowered;
	s6 =	simm.s32 $_tile_overlayer_lowered  }
0x9b: {  	s22 =	simm.s32 $0x1BFF;
	s21 =	sshll.u32 s6, $0x1;
	s3 =	sadd.s32 s4, s19  }
0x9c: {  	s7 =	simm.s32 $0x0;
	s20 =	sshll.u32 s5, $0x1;
	s5 =	sadd.s32 s21, s3  }
0x9d: {  	[timem:s7], [sflag:s22] =	dma.local [hbm:s5], s20  }
0x9e: {  	_ =	swait.ge [sflag:s22], s20  }
0x9f: {  	s4 =	ssub.s32 $0x0, s20;
	[sflag:s22] =	ssyncset.done $0x0  }
0xa0: {  	[sflag:s22] =	ssyncadd.s32 s4;
	_ =	sdelay $0x1  }
0xa1: {  	s23 =	simm.s32 $0x1B8B  }
0xa2: {  	_ =	swait.ge [sflag:s23], $0x1  }
0xa3: {  	[sflag:s23] =	ssyncset.done $0x0  }
0xa4: {  	s25 =	simm.s32 $0x1B8E;
	s24 =	sld [smem:$0x3FFE];
	[sflag:s23] =	ssyncadd.s32 $0xFFFFFFFF  }
0xa5: {  	s26 =	simm.s32 $execute0_lowered;
	[smem:$0x3FD2] =	sst s25  }
0xa6: {  	s5 =	sshll.u32 s26, $0x1;
	_ =	strace $0x80000046;
	[dreg:$0x1] =	wrdreg $0xFFFFFFFF  }
0xa7: {  	s28 =	simm.s32 $_size_execute0_lowered;
	s3 =	sadd.s32 s3, s5;
	[dreg:$0x0] =	wrdreg $0x0  }
0xa8: {  	s5 =	sshll.u32 s28, $0x1;
	[dreg:$0x2] =	wrdreg s3  }
0xa9: {  	[dreg:$0x3] =	wrdreg s5  }
0xaa: {  	[dreg:$0x4] =	wrdreg $0xC0  }
0xab: {  	_ =	task [dreg:s7], $0x5FFFF  }
0xac: {  	[dreg:$0x1] =	wrdreg $0xFFFFFFFF  }
0xad: {  	[dreg:$0x0] =	wrdreg $0x60  }
0xae: {  	[dreg:$0x2] =	wrdreg s2  }
0xaf: {  	[dreg:$0x3] =	wrdreg s24  }
0xb0: {  	[dreg:$0x4] =	wrdreg $0x51000  }
0xb1: {  	[dreg:$0x5] =	wrdreg $0x9  }
0xb2: {  	_ =	task.clear_ibuf [dreg:s7], $0x6FFFF;
	_ =	strace $0x90000046  }
0xb3: {  	s29 =	simm.s32 $0x9;
	_ =	strace $0x80000048  }
0xb4: {  	_ =	swait.ge [sflag:s29], $0x1  }
0xb5: {  	[sflag:s29] =	ssyncadd.s32 $0xFFFFFFFF  }
0xb6: {  	_ =	strace $0x90000048  }
0xb7: {  	_ =	sfence  }
0xb8: {  	s30 =	sld [smem:$0x0];
	_ =	sdelay $0x2  }
0xb9: {  	s31 =	sshll.u32 s1, $0xD;
	s1 =	sshrl.u32 s1, $0x2  }
0xba: {  	s3 =	sand.u32 $0x4000, s31;
	s1 =	sadd.s32 s1, s30  }
0xbb: {  	s0 =	sor.u32 s3, s0;
	s1 =	sshll.u32 s1, $0x11  }
0xbc: {  	s0 =	sor.u32 s1, s0  }
0xbd: {  	s0 =	sadd.s32 $0x8F2B, s0  }
0xbe: {  	[sflag:s0] =	ssyncadd.remote.s32 $0x1  }
0xbf: {  	_ =	sfence.sel $0xFFFF  }
0xc0: {  	[dreg:$0x0] =	wrdreg $0xFFFFFFFF;
	(pc) =	sbr.abs _section_cstart, $3  }
0xc1: {  	[dreg:$0x1] =	wrdreg $0xFFFFFFFF  }
0xc2: {  	_ =	task.clear_ibuf [dreg:s7], $0x2FFFF;
	_ =	strace $0x9FFFFFFF  }
0xc3: {  	(tm) =	ssettm $0x7FFFFFFF  }
tec
execute0_lowered:
.L_overlay_start_1:
0x0: {  	(tag) =	ssettag $0x1  }
0x1: {  	s1 =	srdreg.scid;
	s2 =	rddreg [dreg:$0x0]  }
0x2: {  	s0 =	stileid.u32;
	s7 =	rddreg [dreg:$0x1]  }
0x3: {  	s3 =	rddreg [dreg:$0x2];
	s4 =	simm.s32 $0x0;
	s19 =	simm.s32 $0x2900  }
0x4: {  	s20 =	simm.s32 $0x2;
	s21 =	simm.s32 $0x80;
	s22 =	simm.s32 $0x50  }
0x5: {  	s23 =	simm.s32 $0x100;
	s24 =	simm.s32 $0x1;
	s5 =	smul.u32 $0x4E20, s0  }
0x6: {  	s6 =	sand.u32 $0x1, s1;
	s1 =	rddreg [dreg:$0x3];
	s28 =	smul.u32 $0x4E000, s0  }
0x7: {  	s25 =	simm.s32 $0x0;
	[smem:$0x7FF] =	sst s4;
	s12 =	smul.u32 $0x13800, s0  }
0x8: {  	s15 =	sadd.s32 $0x18C00, s7;
	p0 =	sne.s32 s0, $0xF;
	s8 =	smul.u32 $0x2710, s6  }
0x9: {  	_ =	strace $0x80000047;
	s29 =	ssub.s32 $0x2, s6;
	s13 =	smul.u32 $0x138800, s6  }
0xa: {  	s30 =	sshrl.u32 s28, $0x2;
	s31 =	sshrl.u32 s29, $0x1;
	s5 =	sadd.s32 s8, s5  }
0xb: {  	s16 =	ssub.s32 s29, s31;
	s14 =	sadd.s32 s12, s13;
	s17 =	sshrl.u32 s13, $0x3  }
0xc: {  	s13 =	sadd.s32 $0x138000, s3;
	s5 =	sshrl.u32 s5, $0x3;
	s14 =	sshrl.u32 s14, $0x3  }
0xd: {  	s16 =	smax.u32 s16, $0x1;
	s18 =	sadd.s32 s5, s7;
	s5 =	sadd.s32 s30, s3  }
0xe: {  	s14 =	sadd.s32 s15, s14;
	s15 =	sadd.s32 s15, s17;
	s6 =	sadd.s32 $0x2700, s5  }
0xf: {  	s7 =	sadd.s32 $0x4E00, s5;
	s8 =	sadd.s32 $0x7500, s5;
	s9 =	sadd.s32 $0x9C00, s5  }
0x10: {  	s10 =	sadd.s32 $0xC300, s5;
	s11 =	sadd.s32 $0xEA00, s5;
	s12 =	sadd.s32 $0x11100, s5  }
0x11: {  	v0 =	vimm.f32 $0.0e+00;
	s15 =	sadd.s32 $0x27000, s15;
	s17 =	sadd.s32 $0x5000, s18;
	s18 =	sadd.s32 $0xEE00, s18  }
.LBB2_1:
0x12: {  	s26 =	simm.s32 $0x0;
	s28 =	simm.s32 $0x200  }
.LBB2_2:
0x13: {  	p1 =	sne.s32 s28, $0x9A00;
	[tilespmem:s26+$0x2970] =	vst v0  }
0x14: {  	[tilespmem:s26+$0x2900] =	vst v0  }
0x15: {  	[tilespmem:s26+$0x2910] =	vst v0  }
.Ltmp0:
0x16: {  	[tilespmem:s26+$0x2920] =	vst v0;
	(pc) =	sbr.rel @p1 .LBB2_2-.Ltmp0, $4  }
0x17: {  	[tilespmem:s26+$0x2930] =	vst v0  }
0x18: {  	[tilespmem:s26+$0x2940] =	vst v0  }
0x19: {  	[tilespmem:s26+$0x2950] =	vst v0  }
0x1a: {  	[tilespmem:s26+$0x2960] =	vst v0;
	s26 =	sshra.s32 s28, $0x2;
	s28 =	sadd.s32 $0x200, s28  }
0x1b: {  	[tilespmem:s26+$0x2970] =	vst v0  }
0x1c: {  	[tilespmem:s26+$0x2900] =	vst v0  }
0x1d: {  	[tilespmem:s26+$0x2910] =	vst v0  }
0x1e: {  	[tilespmem:s26+$0x2920] =	vst v0  }
0x1f: {  	[tilespmem:s26+$0x2930] =	vst v0  }
0x20: {  	[tilespmem:s26+$0x2940] =	vst v0  }
0x21: {  	[tilespmem:s26+$0x2950] =	vst v0  }
0x22: {  	[tilespmem:s26+$0x2960] =	vst v0  }
0x23: {  	[spmem:s5] =	stream.linear.scatter [tilespmem:s19], [sflag:$0x2], $0x2700, $0x38;
	[tilespmem:$0x18980] =	vst v63  }
0x24: {  	_ =	swait.ge [sflag:s20], $0x2700  }
0x25: {  	[sflag:s20] =	ssyncset.done $0x0  }
0x26: {  	[sflag:s20] =	ssyncadd.s32 $0xFFFFD900  }
0x27: {  	[spmem:s6] =	stream.linear.scatter [tilespmem:s19], [sflag:$0x2], $0x2700, $0x38;
	[tilespmem:$0x18980] =	vst v63  }
0x28: {  	_ =	swait.ge [sflag:s20], $0x2700  }
0x29: {  	[sflag:s20] =	ssyncset.done $0x0  }
0x2a: {  	[sflag:s20] =	ssyncadd.s32 $0xFFFFD900  }
0x2b: {  	[spmem:s7] =	stream.linear.scatter [tilespmem:s19], [sflag:$0x2], $0x2700, $0x38;
	[tilespmem:$0x18980] =	vst v63  }
0x2c: {  	_ =	swait.ge [sflag:s20], $0x2700  }
0x2d: {  	[sflag:s20] =	ssyncset.done $0x0  }
0x2e: {  	[sflag:s20] =	ssyncadd.s32 $0xFFFFD900  }
0x2f: {  	[spmem:s8] =	stream.linear.scatter [tilespmem:s19], [sflag:$0x2], $0x2700, $0x38;
	[tilespmem:$0x18980] =	vst v63  }
0x30: {  	_ =	swait.ge [sflag:s20], $0x2700  }
0x31: {  	[sflag:s20] =	ssyncset.done $0x0  }
0x32: {  	[sflag:s20] =	ssyncadd.s32 $0xFFFFD900  }
0x33: {  	[spmem:s9] =	stream.linear.scatter [tilespmem:s19], [sflag:$0x2], $0x2700, $0x38;
	[tilespmem:$0x18980] =	vst v63  }
0x34: {  	_ =	swait.ge [sflag:s20], $0x2700  }
0x35: {  	[sflag:s20] =	ssyncset.done $0x0  }
0x36: {  	[sflag:s20] =	ssyncadd.s32 $0xFFFFD900  }
0x37: {  	[spmem:s10] =	stream.linear.scatter [tilespmem:s19], [sflag:$0x2], $0x2700, $0x38;
	[tilespmem:$0x18980] =	vst v63  }
0x38: {  	_ =	swait.ge [sflag:s20], $0x2700  }
0x39: {  	[sflag:s20] =	ssyncset.done $0x0  }
0x3a: {  	[sflag:s20] =	ssyncadd.s32 $0xFFFFD900  }
0x3b: {  	[spmem:s11] =	stream.linear.scatter [tilespmem:s19], [sflag:$0x2], $0x2700, $0x38;
	[tilespmem:$0x18980] =	vst v63  }
0x3c: {  	_ =	swait.ge [sflag:s20], $0x2700  }
0x3d: {  	[sflag:s20] =	ssyncset.done $0x0  }
0x3e: {  	[sflag:s20] =	ssyncadd.s32 $0xFFFFD900  }
0x3f: {  	[spmem:s12] =	stream.linear.scatter [tilespmem:s19], [sflag:$0x2], $0x2700, $0x38;
	[tilespmem:$0x18980] =	vst v63  }
0x40: {  	_ =	swait.ge [sflag:s20], $0x2700  }
0x41: {  	[sflag:s20] =	ssyncset.done $0x0  }
0x42: {  	s26 =	simm.s32 @!p0 $0x2900;
	[sflag:s20] =	ssyncadd.s32 $0xFFFFD900  }
0x43: {  	[spmem:s13] =	stream.linear.scatter @!p0 [tilespmem:s26], [sflag:$0x2], $0x800, $0x38;
	[tilespmem:$0x18980] =	vst v63  }
0x44: {  	s26 =	simm.s32 @!p0 $0x2  }
0x45: {  	_ =	swait.ge @!p0 [sflag:s26], $0x800  }
0x46: {  	[sflag:s26] =	ssyncset.done @!p0 $0x0  }
0x47: {  	[sflag:s26] =	ssyncadd.s32 @!p0 $0xFFFFF800  }
0x48: {  	s30 =	sadd.s32 $0x0, s18;
	[bflag:$0x0] =	sbarrier.arrive $0xFFFF  }
0x49: {  	[tilespmem:s4], [sflag:$0x2] =	stream.linear.gather [hbm4b:s30+s4], $0x50, $0x38;
	[tilespmem:$0x18980] =	vst v63  }
0x4a: {  	_ =	swait.ge [sflag:s20], $0x50  }
0x4b: {  	[sflag:s20] =	ssyncset.done $0x0  }
0x4c: {  	s31 =	sadd.s32 $0x0, s17;
	[sflag:s20] =	ssyncadd.s32 $0xFFFFFFB0  }
0x4d: {  	[tilespmem:s21], [sflag:$0x2] =	stream.linear.gather [hbm4b:s31+s4], $0x50, $0x38;
	[tilespmem:$0x18980] =	vst v63  }
0x4e: {  	_ =	swait.ge [sflag:s20], $0x50  }
0x4f: {  	[sflag:s20] =	ssyncset.done $0x0  }
0x50: {  	[sflag:s20] =	ssyncadd.s32 $0xFFFFFFB0  }
0x51: {  	[tilespmem:s23], [sflag:$0x1] =	stream.indirect.gather [hbm4b:s2+s22], $0x80, s4, s22, $0xb8;
	[tilespmem:$0x18980] =	vst v63  }
0x52: {  	_ =	swait.ge [sflag:s24], $0x2800  }
0x53: {  	[sflag:s24] =	ssyncset.done $0x0  }
0x54: {  	[sflag:s24] =	ssyncadd.s32 $0xFFFFD800  }
0x55: {  	[spmem:s3] =	stream.indirect.scatter.add.f32 [tilespmem:s23], [sflag:$0x2], $0x80, s21, s22, $0xb8;
	[tilespmem:$0x18980] =	vst v63  }
0x56: {  	_ =	swait.ge [sflag:s20], $0x2800  }
0x57: {  	s28 =	simm.s32 $0x14;
	s26 =	simm.s32 $0xA;
	[sflag:s20] =	ssyncset.done $0x0  }
.LBB2_4:
0x58: {  	s29 =	sadd.s32 s26, s18  }
0x59: {  	[sflag:s20] =	ssyncadd.s32 $0xFFFFD800;
	s30 =	smov.u32 s28;
	s31 =	sadd.s32 $0xA, s28  }
0x5a: {  	[tilespmem:s4], [sflag:$0x2] =	stream.linear.gather [hbm4b:s29+s4], $0x50, $0x38;
	[tilespmem:$0x18980] =	vst v63  }
0x5b: {  	p1 =	sne.s32 s28, $0x4D8;
	_ =	swait.ge [sflag:s20], $0x50  }
0x5c: {  	[sflag:s20] =	ssyncset.done $0x0  }
0x5d: {  	s28 =	sadd.s32 s26, s17;
	s26 =	smov.u32 s30;
	[sflag:s20] =	ssyncadd.s32 $0xFFFFFFB0  }
0x5e: {  	[tilespmem:s21], [sflag:$0x2] =	stream.linear.gather [hbm4b:s28+s4], $0x50, $0x38;
	[tilespmem:$0x18980] =	vst v63  }
0x5f: {  	_ =	swait.ge [sflag:s20], $0x50  }
0x60: {  	[sflag:s20] =	ssyncset.done $0x0  }
0x61: {  	[sflag:s20] =	ssyncadd.s32 $0xFFFFFFB0  }
0x62: {  	[tilespmem:s23], [sflag:$0x1] =	stream.indirect.gather [hbm4b:s2+s22], $0x80, s4, s22, $0xb8;
	[tilespmem:$0x18980] =	vst v63  }
0x63: {  	_ =	swait.ge [sflag:s24], $0x2800  }
.Ltmp1:
0x64: {  	[sflag:s24] =	ssyncset.done $0x0;
	(pc) =	sbr.rel @p1 .LBB2_4-.Ltmp1, $4  }
0x65: {  	[sflag:s24] =	ssyncadd.s32 $0xFFFFD800  }
0x66: {  	[spmem:s3] =	stream.indirect.scatter.add.f32 [tilespmem:s23], [sflag:$0x2], $0x80, s21, s22, $0xb8;
	[tilespmem:$0x18980] =	vst v63  }
0x67: {  	_ =	swait.ge [sflag:s20], $0x2800  }
0x68: {  	s28 =	smov.u32 s31;
	[sflag:s20] =	ssyncset.done $0x0  }
0x69: {  	s28 =	sadd.s32 s26, s18;
	[sflag:s20] =	ssyncadd.s32 $0xFFFFD800  }
0x6a: {  	[tilespmem:s4], [sflag:$0x2] =	stream.linear.gather [hbm4b:s28+s4], $0x50, $0x38;
	[tilespmem:$0x18980] =	vst v63  }
0x6b: {  	_ =	swait.ge [sflag:s20], $0x50  }
0x6c: {  	[sflag:s20] =	ssyncset.done $0x0  }
0x6d: {  	s29 =	sadd.s32 s26, s17;
	[sflag:s20] =	ssyncadd.s32 $0xFFFFFFB0  }
0x6e: {  	[tilespmem:s21], [sflag:$0x2] =	stream.linear.gather [hbm4b:s29+s4], $0x50, $0x38;
	[tilespmem:$0x18980] =	vst v63  }
0x6f: {  	_ =	swait.ge [sflag:s20], $0x50  }
0x70: {  	[sflag:s20] =	ssyncset.done $0x0  }
0x71: {  	[sflag:s20] =	ssyncadd.s32 $0xFFFFFFB0  }
0x72: {  	[tilespmem:s23], [sflag:$0x1] =	stream.indirect.gather [hbm4b:s2+s22], $0x80, s4, s22, $0xb8;
	[tilespmem:$0x18980] =	vst v63  }
0x73: {  	_ =	swait.ge [sflag:s24], $0x2800  }
0x74: {  	[sflag:s24] =	ssyncset.done $0x0  }
0x75: {  	[sflag:s24] =	ssyncadd.s32 $0xFFFFD800  }
0x76: {  	[spmem:s3] =	stream.indirect.scatter.add.f32 [tilespmem:s23], [sflag:$0x2], $0x80, s21, s22, $0xb8;
	[tilespmem:$0x18980] =	vst v63  }
0x77: {  	_ =	swait.ge [sflag:s20], $0x2800  }
0x78: {  	[sflag:s20] =	ssyncset.done $0x0  }
0x79: {  	s30 =	sshll.u32 s0, $0x6;
	[sflag:s20] =	ssyncadd.s32 $0xFFFFD800  }
0x7a: {  	s31 =	sshrl.u32 s5, $0x3;
	s26 =	sor.u32 $0x1C02, s30;
	[bflag:$0x0] =	sbarrier.arrive $0xFFFF  }
0x7b: {  	[hbm:s14], [sflag:s26] =	dma.local [spmem:s31], $0x2700  }
0x7c: {  	_ =	swait.ge [sflag:s20], $0x2700  }
0x7d: {  	s25 =	sadd.s32 $0x1, s25;
	[sflag:s20] =	ssyncset.done $0x0  }
0x7e: {  	s28 =	sshrl.u32 @!p0 s13, $0x3;
	p1 =	sne.s32 s25, s16;
	[sflag:s20] =	ssyncadd.s32 $0xFFFFD900  }
0x7f: {  	[hbm:s15], [sflag:s26] =	dma.local @!p0 [spmem:s28], $0x100  }
.Ltmp2:
0x80: {  	_ = 	snop;
	(pc) =	sbr.rel @p1 .LBB2_1-.Ltmp2, $4  }
0x81: {  	s26 =	simm.s32 @!p0 $0x2  }
0x82: {  	_ =	swait.ge @!p0 [sflag:s26], $0x100  }
0x83: {  	[sflag:s26] =	ssyncset.done @!p0 $0x0  }
0x84: {  	[sflag:s26] =	ssyncadd.s32 @!p0 $0xFFFFFF00  }
0x85: {  	_ =	sfence.sel $0x180000  }
0x86: {  	[bflag:$0x0] =	sbarrier.arrive $0xFFFF  }
0x87: {  	p0 =	sne.s32 s0, $0x0;
	_ =	strace $0x90000047  }
0x88: {  	s0 =	sadd.s32 @!p0 $0x100000, s1;
	[bflag:$0x2] =	sbarrier.arrive $0xFFFF  }
0x89: {  	[sflag:s0] =	ssyncadd.tile.s32 @!p0 $0x1;
	_ =	shalt  }
.Lfunc_end2:
_tile_overlayer_lowered:
.L_overlay_start_2:
0x8a: {  	(tag) =	ssettag $0x2  }
0x8b: {  	s0 =	rddreg [dreg:$0x0];
	s2 =	stileid.u32  }
0x8c: {  	s1 =	rddreg [dreg:$0x1];
	p0 =	sne.s32 s2, $0x0  }
0x8d: {  	s3 =	rddreg [dreg:$0x2];
	[bflag:$0x3] =	sbarrier.arrive $0xFFFF;
	s2 =	simm.s32 @!p0 $0x1C02  }
0x8e: {  	[timem:s3], [sflag:s2] =	dma.local @!p0 [hbm:s0], s1  }
0x8f: {  	s0 =	simm.s32 @!p0 $0x2  }
0x90: {  	_ =	swait.ge @!p0 [sflag:s0], s1  }
0x91: {  	s1 =	ssub.s32 @!p0 $0x0, s1;
	[sflag:s0] =	ssyncset.done @!p0 $0x0  }
0x92: {  	[sflag:s0] =	ssyncadd.s32 @!p0 s1  }
0x93: {  	[bflag:$0x3] =	sbarrier.arrive $0xFFFF  }
0x94: {  	_ =	shalt  }

</sc_bundles>
